<compile_context>
chip_gen: v7x
topology: tpu7x:2x2x1
jax: 0.10.2.dev20260603
libtpu: 0.0.44.dev20260713+nightly
codegen_flags: <defaults>
</compile_context>

<pallas_src>
import functools

import jax
import jax.numpy as jnp
from jax import lax
from jax.experimental import pallas as pl
from jax.experimental.pallas import tpu as pltpu
from jax.experimental.pallas import tpu_sc as plsc

B, L, D = 8, 2048, 768
C, K = 512, 4

NC, NS, LANES = 2, 16, 16
NW = NC * NS
NCHUNKS = B * C
CPW = NCHUNKS // NW
WPB = NW // B
BLK = 16
NBLK = CPW // BLK
NH = NBLK // 2

_mesh = plsc.VectorSubcoreMesh(core_axis_name="c", subcore_axis_name="s")


@functools.partial(
    pl.kernel,
    mesh=_mesh,
    compiler_params=pltpu.CompilerParams(needs_layout_passes=False),
    out_type=(
        jax.ShapeDtypeStruct((NCHUNKS, D), jnp.float32),
        jax.ShapeDtypeStruct((B, C), jnp.int32),
        jax.ShapeDtypeStruct((B, C), jnp.int32),
        jax.ShapeDtypeStruct((B, C), jnp.int32),
    ),
    scratch_types=[
        pltpu.VMEM((CPW * K,), jnp.int32),
        pltpu.VMEM((BLK * K,), jnp.int32),
        pltpu.VMEM((BLK * K,), jnp.int32),
        pltpu.VMEM((BLK * K, D), jnp.float32),
        pltpu.VMEM((BLK * K, D), jnp.float32),
        pltpu.VMEM((BLK, D), jnp.float32),
        pltpu.VMEM((BLK, D), jnp.float32),
        pltpu.VMEM((L,), jnp.int32),
        pltpu.VMEM((L,), jnp.int32),
        pltpu.VMEM((L,), jnp.int32),
        pltpu.VMEM((CPW,), jnp.int32),
        pltpu.VMEM((CPW,), jnp.int32),
        pltpu.VMEM((CPW,), jnp.int32),
        pltpu.SemaphoreType.DMA,
        pltpu.SemaphoreType.DMA,
        pltpu.SemaphoreType.DMA,
        pltpu.SemaphoreType.DMA,
        pltpu.SemaphoreType.DMA,
    ],
)
def _sc_pool(tens_hbm, idx_hbm, pad_hbm, reg_hbm, sp_hbm,
             pooled_hbm, mp_hbm, mr_hbm, ms_hbm,
             idxr_v, idxb0_v, idxb1_v, rows0_v, rows1_v,
             pool0_v, pool1_v, pad_v, reg_v, sp_v, mpb_v, mrb_v, msb_v,
             semg0, semg1, sems0, sems1, semm):
    cid = lax.axis_index("c")
    sid = lax.axis_index("s")
    wid = sid * NC + cid
    b = wid // WPB
    c0 = (wid % WPB) * CPW
    chunk0 = wid * CPW

    pltpu.sync_copy(idx_hbm.at[b, pl.ds(c0 * K, CPW * K)], idxr_v)
    pltpu.async_copy(pad_hbm.at[b], pad_v, semm)
    pltpu.async_copy(reg_hbm.at[b], reg_v, semm)
    pltpu.async_copy(sp_hbm.at[b], sp_v, semm)

    off = b * L

    def _fill_idx(idxb_v, g):
        for j in range((BLK * K) // LANES):
            idxb_v[pl.ds(j * LANES, LANES)] = (
                idxr_v[pl.ds(g * BLK * K + j * LANES, LANES)] + off)

    def _start_gather(idxb_v, rows_v, sem):
        pltpu.async_copy(tens_hbm.at[idxb_v], rows_v, sem)

    def _wait_gather(idxb_v, rows_v, sem):
        pltpu.make_async_copy(tens_hbm.at[idxb_v], rows_v, sem).wait()

    def _compute(rows_v, pool_v):
        def _col_body(s, inner):
            base = s * LANES
            for c in range(BLK):
                r0 = rows_v[c * K + 0, pl.ds(base, LANES)]
                r1 = rows_v[c * K + 1, pl.ds(base, LANES)]
                r2 = rows_v[c * K + 2, pl.ds(base, LANES)]
                r3 = rows_v[c * K + 3, pl.ds(base, LANES)]
                pool_v[c, pl.ds(base, LANES)] = (r0 + r1 + r2 + r3) * 0.25
            return inner

        lax.fori_loop(0, D // LANES, _col_body, 0)

    def _wait_store(pool_v, sem):
        pltpu.make_async_copy(pool_v, pooled_hbm.at[pl.ds(chunk0, BLK)],
                              sem).wait()

    _fill_idx(idxb0_v, 0)
    _start_gather(idxb0_v, rows0_v, semg0)
    _fill_idx(idxb1_v, 1)
    _start_gather(idxb1_v, rows1_v, semg1)

    pltpu.make_async_copy(pad_hbm.at[b], pad_v, semm).wait()
    pltpu.make_async_copy(reg_hbm.at[b], reg_v, semm).wait()
    pltpu.make_async_copy(sp_hbm.at[b], sp_v, semm).wait()
    lane = lax.iota(jnp.int32, LANES)

    def _msk_body(g, carry):
        cidx = g * LANES + lane
        psum = jnp.zeros((LANES,), jnp.int32)
        rsum = jnp.zeros((LANES,), jnp.int32)
        sprod = jnp.ones((LANES,), jnp.int32)
        for k in range(K):
            tok = plsc.load_gather(idxr_v, [cidx * K + k])
            psum = psum + plsc.load_gather(pad_v, [tok])
            rsum = rsum + plsc.load_gather(reg_v, [tok])
            sprod = sprod * plsc.load_gather(sp_v, [tok])
        mp = (psum != 0).astype(jnp.int32)
        mr = (rsum != 0).astype(jnp.int32)
        ms = (sprod != 0).astype(jnp.int32)
        ms = jnp.where(mp == 0, -1, ms)
        mpb_v[pl.ds(g * LANES, LANES)] = mp
        mrb_v[pl.ds(g * LANES, LANES)] = mr
        msb_v[pl.ds(g * LANES, LANES)] = ms
        return carry

    lax.fori_loop(0, CPW // LANES, _msk_body, 0)
    pltpu.async_copy(mpb_v, mp_hbm.at[b, pl.ds(c0, CPW)], semm)
    pltpu.async_copy(mrb_v, mr_hbm.at[b, pl.ds(c0, CPW)], semm)
    pltpu.async_copy(msb_v, ms_hbm.at[b, pl.ds(c0, CPW)], semm)

    def _half(h, idxb_v, rows_v, pool_v, semg, sems, g, gnext):
        _wait_gather(idxb_v, rows_v, semg)

        @pl.when(h > 0)
        def _():
            _wait_store(pool_v, sems)

        _compute(rows_v, pool_v)

        @pl.when(gnext < NBLK)
        def _():
            _fill_idx(idxb_v, gnext)
            _start_gather(idxb_v, rows_v, semg)

        pltpu.async_copy(pool_v, pooled_hbm.at[pl.ds(chunk0 + g * BLK, BLK)],
                         sems)

    def _blk2_body(h, carry):
        _half(h, idxb0_v, rows0_v, pool0_v, semg0, sems0, 2 * h, 2 * h + 2)
        _half(h, idxb1_v, rows1_v, pool1_v, semg1, sems1, 2 * h + 1, 2 * h + 3)
        return carry

    lax.fori_loop(0, NH, _blk2_body, 0)
    _wait_store(pool0_v, sems0)
    _wait_store(pool1_v, sems1)

    pltpu.make_async_copy(mpb_v, mp_hbm.at[b, pl.ds(c0, CPW)], semm).wait()
    pltpu.make_async_copy(mrb_v, mr_hbm.at[b, pl.ds(c0, CPW)], semm).wait()
    pltpu.make_async_copy(msb_v, ms_hbm.at[b, pl.ds(c0, CPW)], semm).wait()


RB = 2048


def _tc_body(x_ref, w_ref, bias_ref, regc_ref, regm_ref, out_ref, cr_ref):
    acc = jnp.dot(x_ref[...], w_ref[...], preferred_element_type=jnp.float32)
    out_ref[...] = jnp.tanh(acc + bias_ref[...][None, :])

    @pl.when(pl.program_id(0) == 0)
    def _():
        num = regc_ref[...].sum().astype(jnp.float32)
        den = regm_ref[...].sum().astype(jnp.float32)
        cr_ref[0, 0] = num / den


_tc_proj = pl.pallas_call(
    _tc_body,
    grid=(NCHUNKS // RB,),
    in_specs=[
        pl.BlockSpec((RB, D), lambda i: (i, 0)),
        pl.BlockSpec((D, D), lambda i: (0, 0)),
        pl.BlockSpec((D,), lambda i: (0,)),
        pl.BlockSpec((B, C), lambda i: (0, 0)),
        pl.BlockSpec((B, L), lambda i: (0, 0)),
    ],
    out_specs=[
        pl.BlockSpec((RB, D), lambda i: (i, 0)),
        pl.BlockSpec(memory_space=pltpu.SMEM),
    ],
    out_shape=[
        jax.ShapeDtypeStruct((NCHUNKS, D), jnp.float32),
        jax.ShapeDtypeStruct((1, 1), jnp.float32),
    ],
)


def kernel(tensors_batch, indices_batch, padding_mask, regular_tokens_mask,
           seq_pair_mask, W, b):
    assert tensors_batch.shape == (B, L, D)
    assert indices_batch.shape == (B, C, K)

    tens_flat = tensors_batch.reshape(B * L, D)
    idx_flat = indices_batch.reshape(B, C * K)

    pooled, mp, mr, ms = _sc_pool(tens_flat, idx_flat, padding_mask,
                                  regular_tokens_mask, seq_pair_mask)
    joint, cr = _tc_proj(pooled, W, b, mr, regular_tokens_mask)
    return (joint.reshape(B, C, D), mp, mr, ms, cr[0, 0])

# --- scband reference (transcript-rebuilt; emitter-appended) ---
"""Pipeline reference for scband-param-embedding-generator-38070590111960 (READ-ONLY COPY).

The authoritative reference and input builder live on the scoring server;
editing this copy changes nothing except your own understanding.
"""

import jax, jax.numpy as jnp
import numpy as np

B, L, D = 8, 2048, 768
C, K = 512, 4  # 512 chunks of 4 tokens each per sequence


def setup_inputs(seed: int = 0) -> dict:
    key = jax.random.key(seed)
    k1, k2, k3 = jax.random.split(key, 3)
    tensors_batch = jax.random.normal(k1, (B, L, D), dtype=jnp.float32)
    indices_batch = jax.random.randint(k2, (B, C, K), 0, L)
    padding_mask = jnp.ones((B, L), dtype=jnp.int32)
    regular_tokens_mask = jnp.ones((B, L), dtype=jnp.int32)
    seq_pair_mask = jnp.zeros((B, L), dtype=jnp.int32)
    # gen_net parameters (mean-pool over chunk -> linear -> tanh)
    W = jax.random.normal(k3, (D, D), dtype=jnp.float32) * 0.02
    b = jnp.zeros((D,), dtype=jnp.float32)
    return {
        'tensors_batch': tensors_batch,
        'indices_batch': indices_batch,
        'padding_mask': padding_mask,
        'regular_tokens_mask': regular_tokens_mask,
        'seq_pair_mask': seq_pair_mask,
        'W': W,
        'b': b,
    }


def reference(tensors_batch, indices_batch, padding_mask, regular_tokens_mask, seq_pair_mask, W, b):
    Bv, Lv, Dv = tensors_batch.shape
    Cv = indices_batch.shape[1]
    bidx = jnp.arange(Bv)[:, None, None]  # [B,1,1]

    # Gather each chunk's token embeddings: [B, C, K, D]
    gathered = tensors_batch[bidx, indices_batch]
    # gen_net: mean-pool over chunk tokens, linear projection, tanh -> joint embedding [B, C, D]
    pooled = gathered.mean(axis=2)
    joint = jnp.tanh(pooled @ W + b)

    # compact_tensors_batch = zeros_like(tensors_batch); positions [0, C) filled per chunk
    compact = jnp.zeros_like(tensors_batch).at[:, :Cv, :].set(joint)

    # chunk-level masks (sum != 0 for padding/regular, prod != 0 for seq_pair)
    pad_chunk = padding_mask[bidx, indices_batch]            # [B, C, K]
    reg_chunk = regular_tokens_mask[bidx, indices_batch]
    sp_chunk = seq_pair_mask[bidx, indices_batch]
    mp = (pad_chunk.sum(axis=-1) != 0).astype(jnp.int32)
    mr = (reg_chunk.sum(axis=-1) != 0).astype(jnp.int32)
    ms = (sp_chunk.prod(axis=-1) != 0).astype(jnp.int32)

    mask_padding = jnp.zeros((Bv, Lv), dtype=jnp.int32).at[:, :Cv].set(mp)
    mask_regular = jnp.zeros((Bv, Lv), dtype=jnp.int32).at[:, :Cv].set(mr)
    mask_seq_pair = jnp.zeros((Bv, Lv), dtype=jnp.int32).at[:, :Cv].set(ms)
    # mask_seq_pair[mask_padding == 0] = -1
    mask_seq_pair = jnp.where(mask_padding == 0, -1, mask_seq_pair)

    # nonzero mask_padding columns are exactly the first Cv positions
    compact_out = compact[:, :Cv, :]
    pad_out = mask_padding[:, :Cv]
    reg_out = mask_regular[:, :Cv]
    sp_out = mask_seq_pair[:, :Cv]

    compression_rate = reg_out.sum().astype(jnp.float32) / regular_tokens_mask.sum().astype(jnp.float32)
    return (compact_out, pad_out, reg_out, sp_out, compression_rate)

if __name__ == "__main__":
    import jax
    _d = setup_inputs()
    print(jax.jit(kernel)(*tuple(_d.values())))

</pallas_src>

<mosaic_0001>
#map = affine_map<(d0, d1) -> (0, 0)>
module attributes {stable_mosaic.version = 14 : i64} {
  func.func @_sc_pool(%arg0: i32, %arg1: i32, %arg2: memref<16384x768xf32, #tpu.memory_space<hbm>>, %arg3: memref<8x2048xi32, #tpu.memory_space<hbm>>, %arg4: memref<8x2048xi32, #tpu.memory_space<hbm>>, %arg5: memref<8x2048xi32, #tpu.memory_space<hbm>>, %arg6: memref<8x2048xi32, #tpu.memory_space<hbm>>, %arg7: memref<4096x768xf32, #tpu.memory_space<hbm>>, %arg8: memref<8x512xi32, #tpu.memory_space<hbm>>, %arg9: memref<8x512xi32, #tpu.memory_space<hbm>>, %arg10: memref<8x512xi32, #tpu.memory_space<hbm>>, %arg11: memref<512xi32, #tpu.memory_space<vmem>>, %arg12: memref<64xi32, #tpu.memory_space<vmem>>, %arg13: memref<64xi32, #tpu.memory_space<vmem>>, %arg14: memref<64x768xf32, #tpu.memory_space<vmem>>, %arg15: memref<64x768xf32, #tpu.memory_space<vmem>>, %arg16: memref<16x768xf32, #tpu.memory_space<vmem>>, %arg17: memref<16x768xf32, #tpu.memory_space<vmem>>, %arg18: memref<2048xi32, #tpu.memory_space<vmem>>, %arg19: memref<2048xi32, #tpu.memory_space<vmem>>, %arg20: memref<2048xi32, #tpu.memory_space<vmem>>, %arg21: memref<128xi32, #tpu.memory_space<vmem>>, %arg22: memref<128xi32, #tpu.memory_space<vmem>>, %arg23: memref<128xi32, #tpu.memory_space<vmem>>, %arg24: memref<!tpu.dma_semaphore, #tpu.memory_space<semaphore_mem>>, %arg25: memref<!tpu.dma_semaphore, #tpu.memory_space<semaphore_mem>>, %arg26: memref<!tpu.dma_semaphore, #tpu.memory_space<semaphore_mem>>, %arg27: memref<!tpu.dma_semaphore, #tpu.memory_space<semaphore_mem>>, %arg28: memref<!tpu.dma_semaphore, #tpu.memory_space<semaphore_mem>>) attributes {dimension_semantics = [#tpu.dimension_semantics<core_parallel>, #tpu.dimension_semantics<subcore_parallel>], iteration_bounds = array<i64: 2, 16>, scalar_prefetch = 0 : i64, scratch_operands = 18 : i64, tpu.core_type = #tpu.core_type<sc_vector_subcore>, window_params = [{transform_indices = #map}, {transform_indices = #map}, {transform_indices = #map}, {transform_indices = #map}, {transform_indices = #map}, {transform_indices = #map}, {transform_indices = #map}, {transform_indices = #map}, {transform_indices = #map}]} {
    %mul3A = arith.constant 2 : i32
    %mul3A_0 = arith.muli %arg1, %mul3A : i32
    %add3A = arith.addi %mul3A_0, %arg0 : i32
    %jit3A = arith.constant 4 : i32
    %div3A = arith.divsi %add3A, %jit3A : i32
    %sign3A = arith.constant 0 : i32
    %sign3A_1 = arith.cmpi sgt, %add3A, %sign3A : i32
    %sign3A_2 = arith.extui %sign3A_1 : i1 to i32
    %sign3A_3 = arith.constant 0 : i32
    %sign3A_4 = arith.cmpi slt, %add3A, %sign3A_3 : i32
    %sign3A_5 = arith.extui %sign3A_4 : i1 to i32
    %sign3A_6 = arith.subi %sign3A_2, %sign3A_5 : i32
    %sign3A_7 = arith.constant 0 : i32
    %sign3A_8 = arith.cmpi sgt, %jit3A, %sign3A_7 : i32
    %sign3A_9 = arith.extui %sign3A_8 : i1 to i32
    %sign3A_10 = arith.constant 0 : i32
    %sign3A_11 = arith.cmpi slt, %jit3A, %sign3A_10 : i32
    %sign3A_12 = arith.extui %sign3A_11 : i1 to i32
    %sign3A_13 = arith.subi %sign3A_9, %sign3A_12 : i32
    %ne3A = arith.cmpi ne, %sign3A_6, %sign3A_13 : i32
    %rem3A = arith.remsi %add3A, %jit3A : i32
    %ne3A_14 = arith.constant 0 : i32
    %ne3A_15 = arith.cmpi ne, %rem3A, %ne3A_14 : i32
    %and3A = arith.andi %ne3A, %ne3A_15 : i1
    %sub3A = arith.constant 1 : i32
    %sub3A_16 = arith.subi %div3A, %sub3A : i32
    %select_n3A = arith.select %and3A, %sub3A_16, %div3A : i32
    %jit3A_17 = arith.constant 4 : i32
    %eq3A = arith.constant 0 : i32
    %eq3A_18 = arith.cmpi eq, %jit3A_17, %eq3A : i32
    %jit3A_19 = arith.constant 1 : i32
    %select_n3A_20 = arith.select %eq3A_18, %jit3A_19, %jit3A_17 : i32
    %rem3A_21 = arith.remsi %add3A, %select_n3A_20 : i32
    %ne3A_22 = arith.constant 0 : i32
    %ne3A_23 = arith.cmpi ne, %rem3A_21, %ne3A_22 : i32
    %lt3A = arith.constant 0 : i32
    %lt3A_24 = arith.cmpi slt, %rem3A_21, %lt3A : i32
    %lt3A_25 = arith.constant 0 : i32
    %lt3A_26 = arith.cmpi slt, %select_n3A_20, %lt3A_25 : i32
    %ne3A_27 = arith.xori %lt3A_24, %lt3A_26 : i1
    %and3A_28 = arith.andi %ne3A_27, %ne3A_23 : i1
    %add3A_29 = arith.addi %rem3A_21, %select_n3A_20 : i32
    %select_n3A_30 = arith.select %and3A_28, %add3A_29, %rem3A_21 : i32
    %mul3A_31 = arith.constant 128 : i32
    %mul3A_32 = arith.muli %select_n3A_30, %mul3A_31 : i32
    %mul3A_33 = arith.constant 128 : i32
    %mul3A_34 = arith.muli %add3A, %mul3A_33 : i32
    %mul3A_35 = arith.constant 4 : i32
    %mul3A_36 = arith.muli %mul3A_32, %mul3A_35 : i32
    "tpu.region"() ({
      %run_scoped3A = tpu.sem_alloc : memref<!tpu.dma_semaphore, #tpu.memory_space<semaphore_mem>>
      %dma_start3A_168 = tpu.memref_slice %arg3[%select_n3A, %mul3A_36] : memref<8x2048xi32, #tpu.memory_space<hbm>> -> memref<1x512xi32, #tpu.memory_space<hbm>>
      %dma_start3A_169 = tpu.memref_squeeze %dma_start3A_168 : memref<1x512xi32, #tpu.memory_space<hbm>> -> memref<512xi32, #tpu.memory_space<hbm>>
      %dma_start3A_170 = tpu.memref_slice %arg3[%select_n3A, %mul3A_36] : memref<8x2048xi32, #tpu.memory_space<hbm>> -> memref<1x512xi32, #tpu.memory_space<hbm>>
      %dma_start3A_171 = tpu.memref_squeeze %dma_start3A_170 : memref<1x512xi32, #tpu.memory_space<hbm>> -> memref<512xi32, #tpu.memory_space<hbm>>
      tpu.enqueue_dma source(%dma_start3A_171 : memref<512xi32, #tpu.memory_space<hbm>>) target(%arg11 : memref<512xi32, #tpu.memory_space<vmem>>) target_semaphore(%run_scoped3A : memref<!tpu.dma_semaphore, #tpu.memory_space<semaphore_mem>>)
      %dma_wait3A_172 = tpu.memref_slice %arg3[%select_n3A, %mul3A_36] : memref<8x2048xi32, #tpu.memory_space<hbm>> -> memref<1x512xi32, #tpu.memory_space<hbm>>
      %dma_wait3A_173 = tpu.memref_squeeze %dma_wait3A_172 : memref<1x512xi32, #tpu.memory_space<hbm>> -> memref<512xi32, #tpu.memory_space<hbm>>
      %dma_wait3A_174 = tpu.memref_slice %arg3[%select_n3A, %mul3A_36] : memref<8x2048xi32, #tpu.memory_space<hbm>> -> memref<1x512xi32, #tpu.memory_space<hbm>>
      %dma_wait3A_175 = tpu.memref_squeeze %dma_wait3A_174 : memref<1x512xi32, #tpu.memory_space<hbm>> -> memref<512xi32, #tpu.memory_space<hbm>>
      tpu.wait_dma2 semaphore(%run_scoped3A : memref<!tpu.dma_semaphore, #tpu.memory_space<semaphore_mem>>) src(%dma_wait3A_175 : memref<512xi32, #tpu.memory_space<hbm>>) dst(%arg11 : memref<512xi32, #tpu.memory_space<vmem>>)
      tpu.yield
    }) : () -> ()
    %dma_start3A = arith.constant 0 : i32
    %dma_start3A_37 = tpu.memref_slice %arg4[%select_n3A, %dma_start3A] : memref<8x2048xi32, #tpu.memory_space<hbm>> -> memref<1x2048xi32, #tpu.memory_space<hbm>>
    %dma_start3A_38 = tpu.memref_squeeze %dma_start3A_37 : memref<1x2048xi32, #tpu.memory_space<hbm>> -> memref<2048xi32, #tpu.memory_space<hbm>>
    %dma_start3A_39 = arith.constant 0 : i32
    %dma_start3A_40 = tpu.memref_slice %arg4[%select_n3A, %dma_start3A_39] : memref<8x2048xi32, #tpu.memory_space<hbm>> -> memref<1x2048xi32, #tpu.memory_space<hbm>>
    %dma_start3A_41 = tpu.memref_squeeze %dma_start3A_40 : memref<1x2048xi32, #tpu.memory_space<hbm>> -> memref<2048xi32, #tpu.memory_space<hbm>>
    tpu.enqueue_dma source(%dma_start3A_41 : memref<2048xi32, #tpu.memory_space<hbm>>) target(%arg18 : memref<2048xi32, #tpu.memory_space<vmem>>) target_semaphore(%arg28 : memref<!tpu.dma_semaphore, #tpu.memory_space<semaphore_mem>>)
    %dma_start3A_42 = arith.constant 0 : i32
    %dma_start3A_43 = tpu.memref_slice %arg5[%select_n3A, %dma_start3A_42] : memref<8x2048xi32, #tpu.memory_space<hbm>> -> memref<1x2048xi32, #tpu.memory_space<hbm>>
    %dma_start3A_44 = tpu.memref_squeeze %dma_start3A_43 : memref<1x2048xi32, #tpu.memory_space<hbm>> -> memref<2048xi32, #tpu.memory_space<hbm>>
    %dma_start3A_45 = arith.constant 0 : i32
    %dma_start3A_46 = tpu.memref_slice %arg5[%select_n3A, %dma_start3A_45] : memref<8x2048xi32, #tpu.memory_space<hbm>> -> memref<1x2048xi32, #tpu.memory_space<hbm>>
    %dma_start3A_47 = tpu.memref_squeeze %dma_start3A_46 : memref<1x2048xi32, #tpu.memory_space<hbm>> -> memref<2048xi32, #tpu.memory_space<hbm>>
    tpu.enqueue_dma source(%dma_start3A_47 : memref<2048xi32, #tpu.memory_space<hbm>>) target(%arg19 : memref<2048xi32, #tpu.memory_space<vmem>>) target_semaphore(%arg28 : memref<!tpu.dma_semaphore, #tpu.memory_space<semaphore_mem>>)
    %dma_start3A_48 = arith.constant 0 : i32
    %dma_start3A_49 = tpu.memref_slice %arg6[%select_n3A, %dma_start3A_48] : memref<8x2048xi32, #tpu.memory_space<hbm>> -> memref<1x2048xi32, #tpu.memory_space<hbm>>
    %dma_start3A_50 = tpu.memref_squeeze %dma_start3A_49 : memref<1x2048xi32, #tpu.memory_space<hbm>> -> memref<2048xi32, #tpu.memory_space<hbm>>
    %dma_start3A_51 = arith.constant 0 : i32
    %dma_start3A_52 = tpu.memref_slice %arg6[%select_n3A, %dma_start3A_51] : memref<8x2048xi32, #tpu.memory_space<hbm>> -> memref<1x2048xi32, #tpu.memory_space<hbm>>
    %dma_start3A_53 = tpu.memref_squeeze %dma_start3A_52 : memref<1x2048xi32, #tpu.memory_space<hbm>> -> memref<2048xi32, #tpu.memory_space<hbm>>
    tpu.enqueue_dma source(%dma_start3A_53 : memref<2048xi32, #tpu.memory_space<hbm>>) target(%arg20 : memref<2048xi32, #tpu.memory_space<vmem>>) target_semaphore(%arg28 : memref<!tpu.dma_semaphore, #tpu.memory_space<semaphore_mem>>)
    %mul3A_54 = arith.constant 2048 : i32
    %mul3A_55 = arith.muli %select_n3A, %mul3A_54 : i32
    %get3A = arith.constant 0 : index
    %get3A_56 = tpu.vector_load %arg11[%get3A] {strides = array<i32>} : memref<512xi32, #tpu.memory_space<vmem>>, vector<16xi32>,
    %add3A_57 = vector.broadcast %mul3A_55 : i32 to vector<16xi32>
    %add3A_58 = arith.addi %get3A_56, %add3A_57 : vector<16xi32>
    %swap3A = arith.constant 0 : index
    %swap3A_59 = tpu.vector_load %arg12[%swap3A] {strides = array<i32>} : memref<64xi32, #tpu.memory_space<vmem>>, vector<16xi32>,
    tpu.vector_store %arg12[%swap3A], %add3A_58 {strides = array<i32>} : memref<64xi32, #tpu.memory_space<vmem>>, vector<16xi32>,
    %get3A_60 = arith.constant 16 : index
    %get3A_61 = tpu.vector_load %arg11[%get3A_60] {strides = array<i32>} : memref<512xi32, #tpu.memory_space<vmem>>, vector<16xi32>,
    %add3A_62 = vector.broadcast %mul3A_55 : i32 to vector<16xi32>
    %add3A_63 = arith.addi %get3A_61, %add3A_62 : vector<16xi32>
    %swap3A_64 = arith.constant 16 : index
    %swap3A_65 = tpu.vector_load %arg12[%swap3A_64] {strides = array<i32>} : memref<64xi32, #tpu.memory_space<vmem>>, vector<16xi32>,
    tpu.vector_store %arg12[%swap3A_64], %add3A_63 {strides = array<i32>} : memref<64xi32, #tpu.memory_space<vmem>>, vector<16xi32>,
    %get3A_66 = arith.constant 32 : index
    %get3A_67 = tpu.vector_load %arg11[%get3A_66] {strides = array<i32>} : memref<512xi32, #tpu.memory_space<vmem>>, vector<16xi32>,
    %add3A_68 = vector.broadcast %mul3A_55 : i32 to vector<16xi32>
    %add3A_69 = arith.addi %get3A_67, %add3A_68 : vector<16xi32>
    %swap3A_70 = arith.constant 32 : index
    %swap3A_71 = tpu.vector_load %arg12[%swap3A_70] {strides = array<i32>} : memref<64xi32, #tpu.memory_space<vmem>>, vector<16xi32>,
    tpu.vector_store %arg12[%swap3A_70], %add3A_69 {strides = array<i32>} : memref<64xi32, #tpu.memory_space<vmem>>, vector<16xi32>,
    %get3A_72 = arith.constant 48 : index
    %get3A_73 = tpu.vector_load %arg11[%get3A_72] {strides = array<i32>} : memref<512xi32, #tpu.memory_space<vmem>>, vector<16xi32>,
    %add3A_74 = vector.broadcast %mul3A_55 : i32 to vector<16xi32>
    %add3A_75 = arith.addi %get3A_73, %add3A_74 : vector<16xi32>
    %swap3A_76 = arith.constant 48 : index
    %swap3A_77 = tpu.vector_load %arg12[%swap3A_76] {strides = array<i32>} : memref<64xi32, #tpu.memory_space<vmem>>, vector<16xi32>,
    tpu.vector_store %arg12[%swap3A_76], %add3A_75 {strides = array<i32>} : memref<64xi32, #tpu.memory_space<vmem>>, vector<16xi32>,
    %dma_start3A_78 = arith.constant 0 : i32
    %dma_start3A_79 = arith.constant 0 : i32
    %dma_start3A_80 = tpu.memref_slice %arg2[%dma_start3A_78, %dma_start3A_79] : memref<16384x768xf32, #tpu.memory_space<hbm>> -> memref<16384x768xf32, #tpu.memory_space<hbm>>
    tpu.enqueue_indirect_dma source(%dma_start3A_80 : memref<16384x768xf32, #tpu.memory_space<hbm>>) target(%arg14 : memref<64x768xf32, #tpu.memory_space<vmem>>) offsets(%arg12 : memref<64xi32, #tpu.memory_space<vmem>>) semaphore(%arg24 : memref<!tpu.dma_semaphore, #tpu.memory_space<semaphore_mem>>)
    %get3A_81 = arith.constant 64 : index
    %get3A_82 = tpu.vector_load %arg11[%get3A_81] {strides = array<i32>} : memref<512xi32, #tpu.memory_space<vmem>>, vector<16xi32>,
    %add3A_83 = vector.broadcast %mul3A_55 : i32 to vector<16xi32>
    %add3A_84 = arith.addi %get3A_82, %add3A_83 : vector<16xi32>
    %swap3A_85 = arith.constant 0 : index
    %swap3A_86 = tpu.vector_load %arg13[%swap3A_85] {strides = array<i32>} : memref<64xi32, #tpu.memory_space<vmem>>, vector<16xi32>,
    tpu.vector_store %arg13[%swap3A_85], %add3A_84 {strides = array<i32>} : memref<64xi32, #tpu.memory_space<vmem>>, vector<16xi32>,
    %get3A_87 = arith.constant 80 : index
    %get3A_88 = tpu.vector_load %arg11[%get3A_87] {strides = array<i32>} : memref<512xi32, #tpu.memory_space<vmem>>, vector<16xi32>,
    %add3A_89 = vector.broadcast %mul3A_55 : i32 to vector<16xi32>
    %add3A_90 = arith.addi %get3A_88, %add3A_89 : vector<16xi32>
    %swap3A_91 = arith.constant 16 : index
    %swap3A_92 = tpu.vector_load %arg13[%swap3A_91] {strides = array<i32>} : memref<64xi32, #tpu.memory_space<vmem>>, vector<16xi32>,
    tpu.vector_store %arg13[%swap3A_91], %add3A_90 {strides = array<i32>} : memref<64xi32, #tpu.memory_space<vmem>>, vector<16xi32>,
    %get3A_93 = arith.constant 96 : index
    %get3A_94 = tpu.vector_load %arg11[%get3A_93] {strides = array<i32>} : memref<512xi32, #tpu.memory_space<vmem>>, vector<16xi32>,
    %add3A_95 = vector.broadcast %mul3A_55 : i32 to vector<16xi32>
    %add3A_96 = arith.addi %get3A_94, %add3A_95 : vector<16xi32>
    %swap3A_97 = arith.constant 32 : index
    %swap3A_98 = tpu.vector_load %arg13[%swap3A_97] {strides = array<i32>} : memref<64xi32, #tpu.memory_space<vmem>>, vector<16xi32>,
    tpu.vector_store %arg13[%swap3A_97], %add3A_96 {strides = array<i32>} : memref<64xi32, #tpu.memory_space<vmem>>, vector<16xi32>,
    %get3A_99 = arith.constant 112 : index
    %get3A_100 = tpu.vector_load %arg11[%get3A_99] {strides = array<i32>} : memref<512xi32, #tpu.memory_space<vmem>>, vector<16xi32>,
    %add3A_101 = vector.broadcast %mul3A_55 : i32 to vector<16xi32>
    %add3A_102 = arith.addi %get3A_100, %add3A_101 : vector<16xi32>
    %swap3A_103 = arith.constant 48 : index
    %swap3A_104 = tpu.vector_load %arg13[%swap3A_103] {strides = array<i32>} : memref<64xi32, #tpu.memory_space<vmem>>, vector<16xi32>,
    tpu.vector_store %arg13[%swap3A_103], %add3A_102 {strides = array<i32>} : memref<64xi32, #tpu.memory_space<vmem>>, vector<16xi32>,
    %dma_start3A_105 = arith.constant 0 : i32
    %dma_start3A_106 = arith.constant 0 : i32
    %dma_start3A_107 = tpu.memref_slice %arg2[%dma_start3A_105, %dma_start3A_106] : memref<16384x768xf32, #tpu.memory_space<hbm>> -> memref<16384x768xf32, #tpu.memory_space<hbm>>
    tpu.enqueue_indirect_dma source(%dma_start3A_107 : memref<16384x768xf32, #tpu.memory_space<hbm>>) target(%arg15 : memref<64x768xf32, #tpu.memory_space<vmem>>) offsets(%arg13 : memref<64xi32, #tpu.memory_space<vmem>>) semaphore(%arg25 : memref<!tpu.dma_semaphore, #tpu.memory_space<semaphore_mem>>)
    %dma_wait3A = arith.constant 0 : i32
    %dma_wait3A_108 = tpu.memref_slice %arg4[%select_n3A, %dma_wait3A] : memref<8x2048xi32, #tpu.memory_space<hbm>> -> memref<1x2048xi32, #tpu.memory_space<hbm>>
    %dma_wait3A_109 = tpu.memref_squeeze %dma_wait3A_108 : memref<1x2048xi32, #tpu.memory_space<hbm>> -> memref<2048xi32, #tpu.memory_space<hbm>>
    %dma_wait3A_110 = arith.constant 0 : i32
    %dma_wait3A_111 = tpu.memref_slice %arg4[%select_n3A, %dma_wait3A_110] : memref<8x2048xi32, #tpu.memory_space<hbm>> -> memref<1x2048xi32, #tpu.memory_space<hbm>>
    %dma_wait3A_112 = tpu.memref_squeeze %dma_wait3A_111 : memref<1x2048xi32, #tpu.memory_space<hbm>> -> memref<2048xi32, #tpu.memory_space<hbm>>
    tpu.wait_dma2 semaphore(%arg28 : memref<!tpu.dma_semaphore, #tpu.memory_space<semaphore_mem>>) src(%dma_wait3A_112 : memref<2048xi32, #tpu.memory_space<hbm>>) dst(%arg18 : memref<2048xi32, #tpu.memory_space<vmem>>)
    %dma_wait3A_113 = arith.constant 0 : i32
    %dma_wait3A_114 = tpu.memref_slice %arg5[%select_n3A, %dma_wait3A_113] : memref<8x2048xi32, #tpu.memory_space<hbm>> -> memref<1x2048xi32, #tpu.memory_space<hbm>>
    %dma_wait3A_115 = tpu.memref_squeeze %dma_wait3A_114 : memref<1x2048xi32, #tpu.memory_space<hbm>> -> memref<2048xi32, #tpu.memory_space<hbm>>
    %dma_wait3A_116 = arith.constant 0 : i32
    %dma_wait3A_117 = tpu.memref_slice %arg5[%select_n3A, %dma_wait3A_116] : memref<8x2048xi32, #tpu.memory_space<hbm>> -> memref<1x2048xi32, #tpu.memory_space<hbm>>
    %dma_wait3A_118 = tpu.memref_squeeze %dma_wait3A_117 : memref<1x2048xi32, #tpu.memory_space<hbm>> -> memref<2048xi32, #tpu.memory_space<hbm>>
    tpu.wait_dma2 semaphore(%arg28 : memref<!tpu.dma_semaphore, #tpu.memory_space<semaphore_mem>>) src(%dma_wait3A_118 : memref<2048xi32, #tpu.memory_space<hbm>>) dst(%arg19 : memref<2048xi32, #tpu.memory_space<vmem>>)
    %dma_wait3A_119 = arith.constant 0 : i32
    %dma_wait3A_120 = tpu.memref_slice %arg6[%select_n3A, %dma_wait3A_119] : memref<8x2048xi32, #tpu.memory_space<hbm>> -> memref<1x2048xi32, #tpu.memory_space<hbm>>
    %dma_wait3A_121 = tpu.memref_squeeze %dma_wait3A_120 : memref<1x2048xi32, #tpu.memory_space<hbm>> -> memref<2048xi32, #tpu.memory_space<hbm>>
    %dma_wait3A_122 = arith.constant 0 : i32
    %dma_wait3A_123 = tpu.memref_slice %arg6[%select_n3A, %dma_wait3A_122] : memref<8x2048xi32, #tpu.memory_space<hbm>> -> memref<1x2048xi32, #tpu.memory_space<hbm>>
    %dma_wait3A_124 = tpu.memref_squeeze %dma_wait3A_123 : memref<1x2048xi32, #tpu.memory_space<hbm>> -> memref<2048xi32, #tpu.memory_space<hbm>>
    tpu.wait_dma2 semaphore(%arg28 : memref<!tpu.dma_semaphore, #tpu.memory_space<semaphore_mem>>) src(%dma_wait3A_124 : memref<2048xi32, #tpu.memory_space<hbm>>) dst(%arg20 : memref<2048xi32, #tpu.memory_space<vmem>>)
    %iota3A = tpu.iota {dimensions = array<i32: 0>} : vector<16xi32>
    %scan3A = arith.constant 0 : i32
    %scan3A_125 = arith.constant 0 : i32
    %scan3A_126 = arith.constant 8 : i32
    %scan3A_127 = arith.addi %scan3A_125, %scan3A_126 : i32
    %scan3A_128 = arith.constant 1 : i32
    scf.for %scan3A_168 = %scan3A_125 to %scan3A_127 step %scan3A_128  : i32 {
      %mul3A_169 = arith.constant 16 : i32
      %mul3A_170 = arith.muli %scan3A_168, %mul3A_169 : i32
      %add3A_171 = vector.broadcast %mul3A_170 : i32 to vector<16xi32>
      %add3A_172 = arith.addi %add3A_171, %iota3A : vector<16xi32>
      %broadcast_in_dim3A = arith.constant 0 : i32
      %broadcast_in_dim3A_173 = vector.broadcast %broadcast_in_dim3A : i32 to vector<16xi32>
      %broadcast_in_dim3A_174 = arith.constant 0 : i32
      %broadcast_in_dim3A_175 = vector.broadcast %broadcast_in_dim3A_174 : i32 to vector<16xi32>
      %broadcast_in_dim3A_176 = arith.constant 1 : i32
      %broadcast_in_dim3A_177 = vector.broadcast %broadcast_in_dim3A_176 : i32 to vector<16xi32>
      %mul3A_178 = arith.constant 4 : i32
      %mul3A_179 = vector.broadcast %mul3A_178 : i32 to vector<16xi32>
      %mul3A_180 = arith.muli %add3A_172, %mul3A_179 : vector<16xi32>
      %add3A_181 = arith.constant 0 : i32
      %add3A_182 = vector.broadcast %add3A_181 : i32 to vector<16xi32>
      %add3A_183 = arith.addi %mul3A_180, %add3A_182 : vector<16xi32>
      %gather3A = tpu.vector_load_idx %arg11[%add3A_183] : memref<512xi32, #tpu.memory_space<vmem>>[vector<16xi32>], vector<16xi32>,
      %gather3A_184 = tpu.vector_load_idx %arg18[%gather3A] : memref<2048xi32, #tpu.memory_space<vmem>>[vector<16xi32>], vector<16xi32>,
      %add3A_185 = arith.addi %broadcast_in_dim3A_173, %gather3A_184 : vector<16xi32>
      %gather3A_186 = tpu.vector_load_idx %arg19[%gather3A] : memref<2048xi32, #tpu.memory_space<vmem>>[vector<16xi32>], vector<16xi32>,
      %add3A_187 = arith.addi %broadcast_in_dim3A_175, %gather3A_186 : vector<16xi32>
      %gather3A_188 = tpu.vector_load_idx %arg20[%gather3A] : memref<2048xi32, #tpu.memory_space<vmem>>[vector<16xi32>], vector<16xi32>,
      %mul3A_189 = arith.muli %broadcast_in_dim3A_177, %gather3A_188 : vector<16xi32>
      %mul3A_190 = arith.constant 4 : i32
      %mul3A_191 = vector.broadcast %mul3A_190 : i32 to vector<16xi32>
      %mul3A_192 = arith.muli %add3A_172, %mul3A_191 : vector<16xi32>
      %add3A_193 = arith.constant 1 : i32
      %add3A_194 = vector.broadcast %add3A_193 : i32 to vector<16xi32>
      %add3A_195 = arith.addi %mul3A_192, %add3A_194 : vector<16xi32>
      %gather3A_196 = tpu.vector_load_idx %arg11[%add3A_195] : memref<512xi32, #tpu.memory_space<vmem>>[vector<16xi32>], vector<16xi32>,
      %gather3A_197 = tpu.vector_load_idx %arg18[%gather3A_196] : memref<2048xi32, #tpu.memory_space<vmem>>[vector<16xi32>], vector<16xi32>,
      %add3A_198 = arith.addi %add3A_185, %gather3A_197 : vector<16xi32>
      %gather3A_199 = tpu.vector_load_idx %arg19[%gather3A_196] : memref<2048xi32, #tpu.memory_space<vmem>>[vector<16xi32>], vector<16xi32>,
      %add3A_200 = arith.addi %add3A_187, %gather3A_199 : vector<16xi32>
      %gather3A_201 = tpu.vector_load_idx %arg20[%gather3A_196] : memref<2048xi32, #tpu.memory_space<vmem>>[vector<16xi32>], vector<16xi32>,
      %mul3A_202 = arith.muli %mul3A_189, %gather3A_201 : vector<16xi32>
      %mul3A_203 = arith.constant 4 : i32
      %mul3A_204 = vector.broadcast %mul3A_203 : i32 to vector<16xi32>
      %mul3A_205 = arith.muli %add3A_172, %mul3A_204 : vector<16xi32>
      %add3A_206 = arith.constant 2 : i32
      %add3A_207 = vector.broadcast %add3A_206 : i32 to vector<16xi32>
      %add3A_208 = arith.addi %mul3A_205, %add3A_207 : vector<16xi32>
      %gather3A_209 = tpu.vector_load_idx %arg11[%add3A_208] : memref<512xi32, #tpu.memory_space<vmem>>[vector<16xi32>], vector<16xi32>,
      %gather3A_210 = tpu.vector_load_idx %arg18[%gather3A_209] : memref<2048xi32, #tpu.memory_space<vmem>>[vector<16xi32>], vector<16xi32>,
      %add3A_211 = arith.addi %add3A_198, %gather3A_210 : vector<16xi32>
      %gather3A_212 = tpu.vector_load_idx %arg19[%gather3A_209] : memref<2048xi32, #tpu.memory_space<vmem>>[vector<16xi32>], vector<16xi32>,
      %add3A_213 = arith.addi %add3A_200, %gather3A_212 : vector<16xi32>
      %gather3A_214 = tpu.vector_load_idx %arg20[%gather3A_209] : memref<2048xi32, #tpu.memory_space<vmem>>[vector<16xi32>], vector<16xi32>,
      %mul3A_215 = arith.muli %mul3A_202, %gather3A_214 : vector<16xi32>
      %mul3A_216 = arith.constant 4 : i32
      %mul3A_217 = vector.broadcast %mul3A_216 : i32 to vector<16xi32>
      %mul3A_218 = arith.muli %add3A_172, %mul3A_217 : vector<16xi32>
      %add3A_219 = arith.constant 3 : i32
      %add3A_220 = vector.broadcast %add3A_219 : i32 to vector<16xi32>
      %add3A_221 = arith.addi %mul3A_218, %add3A_220 : vector<16xi32>
      %gather3A_222 = tpu.vector_load_idx %arg11[%add3A_221] : memref<512xi32, #tpu.memory_space<vmem>>[vector<16xi32>], vector<16xi32>,
      %gather3A_223 = tpu.vector_load_idx %arg18[%gather3A_222] : memref<2048xi32, #tpu.memory_space<vmem>>[vector<16xi32>], vector<16xi32>,
      %add3A_224 = arith.addi %add3A_211, %gather3A_223 : vector<16xi32>
      %gather3A_225 = tpu.vector_load_idx %arg19[%gather3A_222] : memref<2048xi32, #tpu.memory_space<vmem>>[vector<16xi32>], vector<16xi32>,
      %add3A_226 = arith.addi %add3A_213, %gather3A_225 : vector<16xi32>
      %gather3A_227 = tpu.vector_load_idx %arg20[%gather3A_222] : memref<2048xi32, #tpu.memory_space<vmem>>[vector<16xi32>], vector<16xi32>,
      %mul3A_228 = arith.muli %mul3A_215, %gather3A_227 : vector<16xi32>
      %ne3A_229 = arith.constant 0 : i32
      %ne3A_230 = vector.broadcast %ne3A_229 : i32 to vector<16xi32>
      %ne3A_231 = arith.cmpi ne, %add3A_224, %ne3A_230 : vector<16xi32>
      %convert_element_type3A = arith.extui %ne3A_231 : vector<16xi1> to vector<16xi32>
      %ne3A_232 = arith.constant 0 : i32
      %ne3A_233 = vector.broadcast %ne3A_232 : i32 to vector<16xi32>
      %ne3A_234 = arith.cmpi ne, %add3A_226, %ne3A_233 : vector<16xi32>
      %convert_element_type3A_235 = arith.extui %ne3A_234 : vector<16xi1> to vector<16xi32>
      %ne3A_236 = arith.constant 0 : i32
      %ne3A_237 = vector.broadcast %ne3A_236 : i32 to vector<16xi32>
      %ne3A_238 = arith.cmpi ne, %mul3A_228, %ne3A_237 : vector<16xi32>
      %convert_element_type3A_239 = arith.extui %ne3A_238 : vector<16xi1> to vector<16xi32>
      %eq3A_240 = arith.constant 0 : i32
      %eq3A_241 = vector.broadcast %eq3A_240 : i32 to vector<16xi32>
      %eq3A_242 = arith.cmpi eq, %convert_element_type3A, %eq3A_241 : vector<16xi32>
      %jit3A_243 = arith.constant -1 : i32
      %broadcast_in_dim3A_244 = vector.broadcast %jit3A_243 : i32 to vector<16xi32>
      %select_n3A_245 = arith.select %eq3A_242, %broadcast_in_dim3A_244, %convert_element_type3A_239 : vector<16xi1>, vector<16xi32>
      %mul3A_246 = arith.constant 16 : i32
      %mul3A_247 = arith.muli %scan3A_168, %mul3A_246 : i32
      %swap3A_248 = arith.index_cast %mul3A_247 : i32 to index
      %swap3A_249 = tpu.vector_load %arg21[%swap3A_248] {strides = array<i32>} : memref<128xi32, #tpu.memory_space<vmem>>, vector<16xi32>,
      tpu.vector_store %arg21[%swap3A_248], %convert_element_type3A {strides = array<i32>} : memref<128xi32, #tpu.memory_space<vmem>>, vector<16xi32>,
      %mul3A_250 = arith.constant 16 : i32
      %mul3A_251 = arith.muli %scan3A_168, %mul3A_250 : i32
      %swap3A_252 = arith.index_cast %mul3A_251 : i32 to index
      %swap3A_253 = tpu.vector_load %arg22[%swap3A_252] {strides = array<i32>} : memref<128xi32, #tpu.memory_space<vmem>>, vector<16xi32>,
      tpu.vector_store %arg22[%swap3A_252], %convert_element_type3A_235 {strides = array<i32>} : memref<128xi32, #tpu.memory_space<vmem>>, vector<16xi32>,
      %mul3A_254 = arith.constant 16 : i32
      %mul3A_255 = arith.muli %scan3A_168, %mul3A_254 : i32
      %swap3A_256 = arith.index_cast %mul3A_255 : i32 to index
      %swap3A_257 = tpu.vector_load %arg23[%swap3A_256] {strides = array<i32>} : memref<128xi32, #tpu.memory_space<vmem>>, vector<16xi32>,
      tpu.vector_store %arg23[%swap3A_256], %select_n3A_245 {strides = array<i32>} : memref<128xi32, #tpu.memory_space<vmem>>, vector<16xi32>,
    }
    %scan3A_129 = arith.constant 8 : i32
    %dma_start3A_130 = tpu.memref_slice %arg8[%select_n3A, %mul3A_32] : memref<8x512xi32, #tpu.memory_space<hbm>> -> memref<1x128xi32, #tpu.memory_space<hbm>>
    %dma_start3A_131 = tpu.memref_squeeze %dma_start3A_130 : memref<1x128xi32, #tpu.memory_space<hbm>> -> memref<128xi32, #tpu.memory_space<hbm>>
    %dma_start3A_132 = tpu.memref_slice %arg8[%select_n3A, %mul3A_32] : memref<8x512xi32, #tpu.memory_space<hbm>> -> memref<1x128xi32, #tpu.memory_space<hbm>>
    %dma_start3A_133 = tpu.memref_squeeze %dma_start3A_132 : memref<1x128xi32, #tpu.memory_space<hbm>> -> memref<128xi32, #tpu.memory_space<hbm>>
    tpu.enqueue_dma source(%arg21 : memref<128xi32, #tpu.memory_space<vmem>>) target(%dma_start3A_133 : memref<128xi32, #tpu.memory_space<hbm>>) target_semaphore(%arg28 : memref<!tpu.dma_semaphore, #tpu.memory_space<semaphore_mem>>)
    %dma_start3A_134 = tpu.memref_slice %arg9[%select_n3A, %mul3A_32] : memref<8x512xi32, #tpu.memory_space<hbm>> -> memref<1x128xi32, #tpu.memory_space<hbm>>
    %dma_start3A_135 = tpu.memref_squeeze %dma_start3A_134 : memref<1x128xi32, #tpu.memory_space<hbm>> -> memref<128xi32, #tpu.memory_space<hbm>>
    %dma_start3A_136 = tpu.memref_slice %arg9[%select_n3A, %mul3A_32] : memref<8x512xi32, #tpu.memory_space<hbm>> -> memref<1x128xi32, #tpu.memory_space<hbm>>
    %dma_start3A_137 = tpu.memref_squeeze %dma_start3A_136 : memref<1x128xi32, #tpu.memory_space<hbm>> -> memref<128xi32, #tpu.memory_space<hbm>>
    tpu.enqueue_dma source(%arg22 : memref<128xi32, #tpu.memory_space<vmem>>) target(%dma_start3A_137 : memref<128xi32, #tpu.memory_space<hbm>>) target_semaphore(%arg28 : memref<!tpu.dma_semaphore, #tpu.memory_space<semaphore_mem>>)
    %dma_start3A_138 = tpu.memref_slice %arg10[%select_n3A, %mul3A_32] : memref<8x512xi32, #tpu.memory_space<hbm>> -> memref<1x128xi32, #tpu.memory_space<hbm>>
    %dma_start3A_139 = tpu.memref_squeeze %dma_start3A_138 : memref<1x128xi32, #tpu.memory_space<hbm>> -> memref<128xi32, #tpu.memory_space<hbm>>
    %dma_start3A_140 = tpu.memref_slice %arg10[%select_n3A, %mul3A_32] : memref<8x512xi32, #tpu.memory_space<hbm>> -> memref<1x128xi32, #tpu.memory_space<hbm>>
    %dma_start3A_141 = tpu.memref_squeeze %dma_start3A_140 : memref<1x128xi32, #tpu.memory_space<hbm>> -> memref<128xi32, #tpu.memory_space<hbm>>
    tpu.enqueue_dma source(%arg23 : memref<128xi32, #tpu.memory_space<vmem>>) target(%dma_start3A_141 : memref<128xi32, #tpu.memory_space<hbm>>) target_semaphore(%arg28 : memref<!tpu.dma_semaphore, #tpu.memory_space<semaphore_mem>>)
    %scan3A_142 = arith.constant 0 : i32
    %scan3A_143 = arith.constant 0 : i32
    %scan3A_144 = arith.constant 4 : i32
    %scan3A_145 = arith.addi %scan3A_143, %scan3A_144 : i32
    %scan3A_146 = arith.constant 1 : i32
    scf.for %scan3A_168 = %scan3A_143 to %scan3A_145 step %scan3A_146  : i32 {
      %mul3A_169 = arith.constant 2 : i32
      %mul3A_170 = arith.muli %mul3A_169, %scan3A_168 : i32
      %mul3A_171 = arith.constant 2 : i32
      %mul3A_172 = arith.muli %mul3A_171, %scan3A_168 : i32
      %add3A_173 = arith.constant 2 : i32
      %add3A_174 = arith.addi %mul3A_172, %add3A_173 : i32
      %dma_wait3A_175 = arith.constant 0 : i32
      %dma_wait3A_176 = arith.constant 0 : i32
      %dma_wait3A_177 = tpu.memref_slice %arg2[%dma_wait3A_175, %dma_wait3A_176] : memref<16384x768xf32, #tpu.memory_space<hbm>> -> memref<16384x768xf32, #tpu.memory_space<hbm>>
      tpu.wait_indirect_dma semaphore(%arg24 : memref<!tpu.dma_semaphore, #tpu.memory_space<semaphore_mem>>) src(%dma_wait3A_177 : memref<16384x768xf32, #tpu.memory_space<hbm>>) dst(%arg14 : memref<64x768xf32, #tpu.memory_space<vmem>>)
      %gt3A = arith.constant 0 : i32
      %gt3A_178 = arith.cmpi sgt, %scan3A_168, %gt3A : i32
      %convert_element_type3A = arith.extui %gt3A_178 : i1 to i32
      %cond3A = arith.constant 0 : i32
      %cond3A_179 = arith.cmpi ne, %convert_element_type3A, %cond3A : i32
      scf.if %cond3A_179 {
        %dma_wait3A_232 = arith.constant 0 : i32
        %dma_wait3A_233 = tpu.memref_slice %arg7[%mul3A_34, %dma_wait3A_232] : memref<4096x768xf32, #tpu.memory_space<hbm>> -> memref<16x768xf32, #tpu.memory_space<hbm>>
        %dma_wait3A_234 = arith.constant 0 : i32
        %dma_wait3A_235 = tpu.memref_slice %arg7[%mul3A_34, %dma_wait3A_234] : memref<4096x768xf32, #tpu.memory_space<hbm>> -> memref<16x768xf32, #tpu.memory_space<hbm>>
        tpu.wait_dma2 semaphore(%arg26 : memref<!tpu.dma_semaphore, #tpu.memory_space<semaphore_mem>>) src(%arg16 : memref<16x768xf32, #tpu.memory_space<vmem>>) dst(%dma_wait3A_235 : memref<16x768xf32, #tpu.memory_space<hbm>>)
      } else {
      }
      %scan3A_180 = arith.constant 0 : i32
      %scan3A_181 = arith.constant 0 : i32
      %scan3A_182 = arith.constant 48 : i32
      %scan3A_183 = arith.addi %scan3A_181, %scan3A_182 : i32
      %scan3A_184 = arith.constant 1 : i32
      scf.for %scan3A_232 = %scan3A_181 to %scan3A_183 step %scan3A_184  : i32 {
        %mul3A_233 = arith.constant 16 : i32
        %mul3A_234 = arith.muli %scan3A_232, %mul3A_233 : i32
        %get3A_235 = arith.constant 0 : i32
        %get3A_236 = arith.index_cast %get3A_235 : i32 to index
        %get3A_237 = arith.index_cast %mul3A_234 : i32 to index
        %get3A_238 = tpu.vector_load %arg14[%get3A_236, %get3A_237] {strides = array<i32>} : memref<64x768xf32, #tpu.memory_space<vmem>>, vector<16xf32>,
        %get3A_239 = arith.constant 1 : i32
        %get3A_240 = arith.index_cast %get3A_239 : i32 to index
        %get3A_241 = arith.index_cast %mul3A_234 : i32 to index
        %get3A_242 = tpu.vector_load %arg14[%get3A_240, %get3A_241] {strides = array<i32>} : memref<64x768xf32, #tpu.memory_space<vmem>>, vector<16xf32>,
        %get3A_243 = arith.constant 2 : i32
        %get3A_244 = arith.index_cast %get3A_243 : i32 to index
        %get3A_245 = arith.index_cast %mul3A_234 : i32 to index
        %get3A_246 = tpu.vector_load %arg14[%get3A_244, %get3A_245] {strides = array<i32>} : memref<64x768xf32, #tpu.memory_space<vmem>>, vector<16xf32>,
        %get3A_247 = arith.constant 3 : i32
        %get3A_248 = arith.index_cast %get3A_247 : i32 to index
        %get3A_249 = arith.index_cast %mul3A_234 : i32 to index
        %get3A_250 = tpu.vector_load %arg14[%get3A_248, %get3A_249] {strides = array<i32>} : memref<64x768xf32, #tpu.memory_space<vmem>>, vector<16xf32>,
        %add3A_251 = arith.addf %get3A_238, %get3A_242 : vector<16xf32>
        %add3A_252 = arith.addf %add3A_251, %get3A_246 : vector<16xf32>
        %add3A_253 = arith.addf %add3A_252, %get3A_250 : vector<16xf32>
        %mul3A_254 = arith.constant 2.500000e-01 : f32
        %mul3A_255 = vector.broadcast %mul3A_254 : f32 to vector<16xf32>
        %mul3A_256 = arith.mulf %add3A_253, %mul3A_255 : vector<16xf32>
        %swap3A_257 = arith.constant 0 : i32
        %swap3A_258 = arith.index_cast %swap3A_257 : i32 to index
        %swap3A_259 = arith.index_cast %mul3A_234 : i32 to index
        %swap3A_260 = tpu.vector_load %arg16[%swap3A_258, %swap3A_259] {strides = array<i32>} : memref<16x768xf32, #tpu.memory_space<vmem>>, vector<16xf32>,
        tpu.vector_store %arg16[%swap3A_258, %swap3A_259], %mul3A_256 {strides = array<i32>} : memref<16x768xf32, #tpu.memory_space<vmem>>, vector<16xf32>,
        %get3A_261 = arith.constant 4 : i32
        %get3A_262 = arith.index_cast %get3A_261 : i32 to index
        %get3A_263 = arith.index_cast %mul3A_234 : i32 to index
        %get3A_264 = tpu.vector_load %arg14[%get3A_262, %get3A_263] {strides = array<i32>} : memref<64x768xf32, #tpu.memory_space<vmem>>, vector<16xf32>,
        %get3A_265 = arith.constant 5 : i32
        %get3A_266 = arith.index_cast %get3A_265 : i32 to index
        %get3A_267 = arith.index_cast %mul3A_234 : i32 to index
        %get3A_268 = tpu.vector_load %arg14[%get3A_266, %get3A_267] {strides = array<i32>} : memref<64x768xf32, #tpu.memory_space<vmem>>, vector<16xf32>,
        %get3A_269 = arith.constant 6 : i32
        %get3A_270 = arith.index_cast %get3A_269 : i32 to index
        %get3A_271 = arith.index_cast %mul3A_234 : i32 to index
        %get3A_272 = tpu.vector_load %arg14[%get3A_270, %get3A_271] {strides = array<i32>} : memref<64x768xf32, #tpu.memory_space<vmem>>, vector<16xf32>,
        %get3A_273 = arith.constant 7 : i32
        %get3A_274 = arith.index_cast %get3A_273 : i32 to index
        %get3A_275 = arith.index_cast %mul3A_234 : i32 to index
        %get3A_276 = tpu.vector_load %arg14[%get3A_274, %get3A_275] {strides = array<i32>} : memref<64x768xf32, #tpu.memory_space<vmem>>, vector<16xf32>,
        %add3A_277 = arith.addf %get3A_264, %get3A_268 : vector<16xf32>
        %add3A_278 = arith.addf %add3A_277, %get3A_272 : vector<16xf32>
        %add3A_279 = arith.addf %add3A_278, %get3A_276 : vector<16xf32>
        %mul3A_280 = arith.constant 2.500000e-01 : f32
        %mul3A_281 = vector.broadcast %mul3A_280 : f32 to vector<16xf32>
        %mul3A_282 = arith.mulf %add3A_279, %mul3A_281 : vector<16xf32>
        %swap3A_283 = arith.constant 1 : i32
        %swap3A_284 = arith.index_cast %swap3A_283 : i32 to index
        %swap3A_285 = arith.index_cast %mul3A_234 : i32 to index
        %swap3A_286 = tpu.vector_load %arg16[%swap3A_284, %swap3A_285] {strides = array<i32>} : memref<16x768xf32, #tpu.memory_space<vmem>>, vector<16xf32>,
        tpu.vector_store %arg16[%swap3A_284, %swap3A_285], %mul3A_282 {strides = array<i32>} : memref<16x768xf32, #tpu.memory_space<vmem>>, vector<16xf32>,
        %get3A_287 = arith.constant 8 : i32
        %get3A_288 = arith.index_cast %get3A_287 : i32 to index
        %get3A_289 = arith.index_cast %mul3A_234 : i32 to index
        %get3A_290 = tpu.vector_load %arg14[%get3A_288, %get3A_289] {strides = array<i32>} : memref<64x768xf32, #tpu.memory_space<vmem>>, vector<16xf32>,
        %get3A_291 = arith.constant 9 : i32
        %get3A_292 = arith.index_cast %get3A_291 : i32 to index
        %get3A_293 = arith.index_cast %mul3A_234 : i32 to index
        %get3A_294 = tpu.vector_load %arg14[%get3A_292, %get3A_293] {strides = array<i32>} : memref<64x768xf32, #tpu.memory_space<vmem>>, vector<16xf32>,
        %get3A_295 = arith.constant 10 : i32
        %get3A_296 = arith.index_cast %get3A_295 : i32 to index
        %get3A_297 = arith.index_cast %mul3A_234 : i32 to index
        %get3A_298 = tpu.vector_load %arg14[%get3A_296, %get3A_297] {strides = array<i32>} : memref<64x768xf32, #tpu.memory_space<vmem>>, vector<16xf32>,
        %get3A_299 = arith.constant 11 : i32
        %get3A_300 = arith.index_cast %get3A_299 : i32 to index
        %get3A_301 = arith.index_cast %mul3A_234 : i32 to index
        %get3A_302 = tpu.vector_load %arg14[%get3A_300, %get3A_301] {strides = array<i32>} : memref<64x768xf32, #tpu.memory_space<vmem>>, vector<16xf32>,
        %add3A_303 = arith.addf %get3A_290, %get3A_294 : vector<16xf32>
        %add3A_304 = arith.addf %add3A_303, %get3A_298 : vector<16xf32>
        %add3A_305 = arith.addf %add3A_304, %get3A_302 : vector<16xf32>
        %mul3A_306 = arith.constant 2.500000e-01 : f32
        %mul3A_307 = vector.broadcast %mul3A_306 : f32 to vector<16xf32>
        %mul3A_308 = arith.mulf %add3A_305, %mul3A_307 : vector<16xf32>
        %swap3A_309 = arith.constant 2 : i32
        %swap3A_310 = arith.index_cast %swap3A_309 : i32 to index
        %swap3A_311 = arith.index_cast %mul3A_234 : i32 to index
        %swap3A_312 = tpu.vector_load %arg16[%swap3A_310, %swap3A_311] {strides = array<i32>} : memref<16x768xf32, #tpu.memory_space<vmem>>, vector<16xf32>,
        tpu.vector_store %arg16[%swap3A_310, %swap3A_311], %mul3A_308 {strides = array<i32>} : memref<16x768xf32, #tpu.memory_space<vmem>>, vector<16xf32>,
        %get3A_313 = arith.constant 12 : i32
        %get3A_314 = arith.index_cast %get3A_313 : i32 to index
        %get3A_315 = arith.index_cast %mul3A_234 : i32 to index
        %get3A_316 = tpu.vector_load %arg14[%get3A_314, %get3A_315] {strides = array<i32>} : memref<64x768xf32, #tpu.memory_space<vmem>>, vector<16xf32>,
        %get3A_317 = arith.constant 13 : i32
        %get3A_318 = arith.index_cast %get3A_317 : i32 to index
        %get3A_319 = arith.index_cast %mul3A_234 : i32 to index
        %get3A_320 = tpu.vector_load %arg14[%get3A_318, %get3A_319] {strides = array<i32>} : memref<64x768xf32, #tpu.memory_space<vmem>>, vector<16xf32>,
        %get3A_321 = arith.constant 14 : i32
        %get3A_322 = arith.index_cast %get3A_321 : i32 to index
        %get3A_323 = arith.index_cast %mul3A_234 : i32 to index
        %get3A_324 = tpu.vector_load %arg14[%get3A_322, %get3A_323] {strides = array<i32>} : memref<64x768xf32, #tpu.memory_space<vmem>>, vector<16xf32>,
        %get3A_325 = arith.constant 15 : i32
        %get3A_326 = arith.index_cast %get3A_325 : i32 to index
        %get3A_327 = arith.index_cast %mul3A_234 : i32 to index
        %get3A_328 = tpu.vector_load %arg14[%get3A_326, %get3A_327] {strides = array<i32>} : memref<64x768xf32, #tpu.memory_space<vmem>>, vector<16xf32>,
        %add3A_329 = arith.addf %get3A_316, %get3A_320 : vector<16xf32>
        %add3A_330 = arith.addf %add3A_329, %get3A_324 : vector<16xf32>
        %add3A_331 = arith.addf %add3A_330, %get3A_328 : vector<16xf32>
        %mul3A_332 = arith.constant 2.500000e-01 : f32
        %mul3A_333 = vector.broadcast %mul3A_332 : f32 to vector<16xf32>
        %mul3A_334 = arith.mulf %add3A_331, %mul3A_333 : vector<16xf32>
        %swap3A_335 = arith.constant 3 : i32
        %swap3A_336 = arith.index_cast %swap3A_335 : i32 to index
        %swap3A_337 = arith.index_cast %mul3A_234 : i32 to index
        %swap3A_338 = tpu.vector_load %arg16[%swap3A_336, %swap3A_337] {strides = array<i32>} : memref<16x768xf32, #tpu.memory_space<vmem>>, vector<16xf32>,
        tpu.vector_store %arg16[%swap3A_336, %swap3A_337], %mul3A_334 {strides = array<i32>} : memref<16x768xf32, #tpu.memory_space<vmem>>, vector<16xf32>,
        %get3A_339 = arith.constant 16 : i32
        %get3A_340 = arith.index_cast %get3A_339 : i32 to index
        %get3A_341 = arith.index_cast %mul3A_234 : i32 to index
        %get3A_342 = tpu.vector_load %arg14[%get3A_340, %get3A_341] {strides = array<i32>} : memref<64x768xf32, #tpu.memory_space<vmem>>, vector<16xf32>,
        %get3A_343 = arith.constant 17 : i32
        %get3A_344 = arith.index_cast %get3A_343 : i32 to index
        %get3A_345 = arith.index_cast %mul3A_234 : i32 to index
        %get3A_346 = tpu.vector_load %arg14[%get3A_344, %get3A_345] {strides = array<i32>} : memref<64x768xf32, #tpu.memory_space<vmem>>, vector<16xf32>,
        %get3A_347 = arith.constant 18 : i32
        %get3A_348 = arith.index_cast %get3A_347 : i32 to index
        %get3A_349 = arith.index_cast %mul3A_234 : i32 to index
        %get3A_350 = tpu.vector_load %arg14[%get3A_348, %get3A_349] {strides = array<i32>} : memref<64x768xf32, #tpu.memory_space<vmem>>, vector<16xf32>,
        %get3A_351 = arith.constant 19 : i32
        %get3A_352 = arith.index_cast %get3A_351 : i32 to index
        %get3A_353 = arith.index_cast %mul3A_234 : i32 to index
        %get3A_354 = tpu.vector_load %arg14[%get3A_352, %get3A_353] {strides = array<i32>} : memref<64x768xf32, #tpu.memory_space<vmem>>, vector<16xf32>,
        %add3A_355 = arith.addf %get3A_342, %get3A_346 : vector<16xf32>
        %add3A_356 = arith.addf %add3A_355, %get3A_350 : vector<16xf32>
        %add3A_357 = arith.addf %add3A_356, %get3A_354 : vector<16xf32>
        %mul3A_358 = arith.constant 2.500000e-01 : f32
        %mul3A_359 = vector.broadcast %mul3A_358 : f32 to vector<16xf32>
        %mul3A_360 = arith.mulf %add3A_357, %mul3A_359 : vector<16xf32>
        %swap3A_361 = arith.constant 4 : i32
        %swap3A_362 = arith.index_cast %swap3A_361 : i32 to index
        %swap3A_363 = arith.index_cast %mul3A_234 : i32 to index
        %swap3A_364 = tpu.vector_load %arg16[%swap3A_362, %swap3A_363] {strides = array<i32>} : memref<16x768xf32, #tpu.memory_space<vmem>>, vector<16xf32>,
        tpu.vector_store %arg16[%swap3A_362, %swap3A_363], %mul3A_360 {strides = array<i32>} : memref<16x768xf32, #tpu.memory_space<vmem>>, vector<16xf32>,
        %get3A_365 = arith.constant 20 : i32
        %get3A_366 = arith.index_cast %get3A_365 : i32 to index
        %get3A_367 = arith.index_cast %mul3A_234 : i32 to index
        %get3A_368 = tpu.vector_load %arg14[%get3A_366, %get3A_367] {strides = array<i32>} : memref<64x768xf32, #tpu.memory_space<vmem>>, vector<16xf32>,
        %get3A_369 = arith.constant 21 : i32
        %get3A_370 = arith.index_cast %get3A_369 : i32 to index
        %get3A_371 = arith.index_cast %mul3A_234 : i32 to index
        %get3A_372 = tpu.vector_load %arg14[%get3A_370, %get3A_371] {strides = array<i32>} : memref<64x768xf32, #tpu.memory_space<vmem>>, vector<16xf32>,
        %get3A_373 = arith.constant 22 : i32
        %get3A_374 = arith.index_cast %get3A_373 : i32 to index
        %get3A_375 = arith.index_cast %mul3A_234 : i32 to index
        %get3A_376 = tpu.vector_load %arg14[%get3A_374, %get3A_375] {strides = array<i32>} : memref<64x768xf32, #tpu.memory_space<vmem>>, vector<16xf32>,
        %get3A_377 = arith.constant 23 : i32
        %get3A_378 = arith.index_cast %get3A_377 : i32 to index
        %get3A_379 = arith.index_cast %mul3A_234 : i32 to index
        %get3A_380 = tpu.vector_load %arg14[%get3A_378, %get3A_379] {strides = array<i32>} : memref<64x768xf32, #tpu.memory_space<vmem>>, vector<16xf32>,
        %add3A_381 = arith.addf %get3A_368, %get3A_372 : vector<16xf32>
        %add3A_382 = arith.addf %add3A_381, %get3A_376 : vector<16xf32>
        %add3A_383 = arith.addf %add3A_382, %get3A_380 : vector<16xf32>
        %mul3A_384 = arith.constant 2.500000e-01 : f32
        %mul3A_385 = vector.broadcast %mul3A_384 : f32 to vector<16xf32>
        %mul3A_386 = arith.mulf %add3A_383, %mul3A_385 : vector<16xf32>
        %swap3A_387 = arith.constant 5 : i32
        %swap3A_388 = arith.index_cast %swap3A_387 : i32 to index
        %swap3A_389 = arith.index_cast %mul3A_234 : i32 to index
        %swap3A_390 = tpu.vector_load %arg16[%swap3A_388, %swap3A_389] {strides = array<i32>} : memref<16x768xf32, #tpu.memory_space<vmem>>, vector<16xf32>,
        tpu.vector_store %arg16[%swap3A_388, %swap3A_389], %mul3A_386 {strides = array<i32>} : memref<16x768xf32, #tpu.memory_space<vmem>>, vector<16xf32>,
        %get3A_391 = arith.constant 24 : i32
        %get3A_392 = arith.index_cast %get3A_391 : i32 to index
        %get3A_393 = arith.index_cast %mul3A_234 : i32 to index
        %get3A_394 = tpu.vector_load %arg14[%get3A_392, %get3A_393] {strides = array<i32>} : memref<64x768xf32, #tpu.memory_space<vmem>>, vector<16xf32>,
        %get3A_395 = arith.constant 25 : i32
        %get3A_396 = arith.index_cast %get3A_395 : i32 to index
        %get3A_397 = arith.index_cast %mul3A_234 : i32 to index
        %get3A_398 = tpu.vector_load %arg14[%get3A_396, %get3A_397] {strides = array<i32>} : memref<64x768xf32, #tpu.memory_space<vmem>>, vector<16xf32>,
        %get3A_399 = arith.constant 26 : i32
        %get3A_400 = arith.index_cast %get3A_399 : i32 to index
        %get3A_401 = arith.index_cast %mul3A_234 : i32 to index
        %get3A_402 = tpu.vector_load %arg14[%get3A_400, %get3A_401] {strides = array<i32>} : memref<64x768xf32, #tpu.memory_space<vmem>>, vector<16xf32>,
        %get3A_403 = arith.constant 27 : i32
        %get3A_404 = arith.index_cast %get3A_403 : i32 to index
        %get3A_405 = arith.index_cast %mul3A_234 : i32 to index
        %get3A_406 = tpu.vector_load %arg14[%get3A_404, %get3A_405] {strides = array<i32>} : memref<64x768xf32, #tpu.memory_space<vmem>>, vector<16xf32>,
        %add3A_407 = arith.addf %get3A_394, %get3A_398 : vector<16xf32>
        %add3A_408 = arith.addf %add3A_407, %get3A_402 : vector<16xf32>
        %add3A_409 = arith.addf %add3A_408, %get3A_406 : vector<16xf32>
        %mul3A_410 = arith.constant 2.500000e-01 : f32
        %mul3A_411 = vector.broadcast %mul3A_410 : f32 to vector<16xf32>
        %mul3A_412 = arith.mulf %add3A_409, %mul3A_411 : vector<16xf32>
        %swap3A_413 = arith.constant 6 : i32
        %swap3A_414 = arith.index_cast %swap3A_413 : i32 to index
        %swap3A_415 = arith.index_cast %mul3A_234 : i32 to index
        %swap3A_416 = tpu.vector_load %arg16[%swap3A_414, %swap3A_415] {strides = array<i32>} : memref<16x768xf32, #tpu.memory_space<vmem>>, vector<16xf32>,
        tpu.vector_store %arg16[%swap3A_414, %swap3A_415], %mul3A_412 {strides = array<i32>} : memref<16x768xf32, #tpu.memory_space<vmem>>, vector<16xf32>,
        %get3A_417 = arith.constant 28 : i32
        %get3A_418 = arith.index_cast %get3A_417 : i32 to index
        %get3A_419 = arith.index_cast %mul3A_234 : i32 to index
        %get3A_420 = tpu.vector_load %arg14[%get3A_418, %get3A_419] {strides = array<i32>} : memref<64x768xf32, #tpu.memory_space<vmem>>, vector<16xf32>,
        %get3A_421 = arith.constant 29 : i32
        %get3A_422 = arith.index_cast %get3A_421 : i32 to index
        %get3A_423 = arith.index_cast %mul3A_234 : i32 to index
        %get3A_424 = tpu.vector_load %arg14[%get3A_422, %get3A_423] {strides = array<i32>} : memref<64x768xf32, #tpu.memory_space<vmem>>, vector<16xf32>,
        %get3A_425 = arith.constant 30 : i32
        %get3A_426 = arith.index_cast %get3A_425 : i32 to index
        %get3A_427 = arith.index_cast %mul3A_234 : i32 to index
        %get3A_428 = tpu.vector_load %arg14[%get3A_426, %get3A_427] {strides = array<i32>} : memref<64x768xf32, #tpu.memory_space<vmem>>, vector<16xf32>,
        %get3A_429 = arith.constant 31 : i32
        %get3A_430 = arith.index_cast %get3A_429 : i32 to index
        %get3A_431 = arith.index_cast %mul3A_234 : i32 to index
        %get3A_432 = tpu.vector_load %arg14[%get3A_430, %get3A_431] {strides = array<i32>} : memref<64x768xf32, #tpu.memory_space<vmem>>, vector<16xf32>,
        %add3A_433 = arith.addf %get3A_420, %get3A_424 : vector<16xf32>
        %add3A_434 = arith.addf %add3A_433, %get3A_428 : vector<16xf32>
        %add3A_435 = arith.addf %add3A_434, %get3A_432 : vector<16xf32>
        %mul3A_436 = arith.constant 2.500000e-01 : f32
        %mul3A_437 = vector.broadcast %mul3A_436 : f32 to vector<16xf32>
        %mul3A_438 = arith.mulf %add3A_435, %mul3A_437 : vector<16xf32>
        %swap3A_439 = arith.constant 7 : i32
        %swap3A_440 = arith.index_cast %swap3A_439 : i32 to index
        %swap3A_441 = arith.index_cast %mul3A_234 : i32 to index
        %swap3A_442 = tpu.vector_load %arg16[%swap3A_440, %swap3A_441] {strides = array<i32>} : memref<16x768xf32, #tpu.memory_space<vmem>>, vector<16xf32>,
        tpu.vector_store %arg16[%swap3A_440, %swap3A_441], %mul3A_438 {strides = array<i32>} : memref<16x768xf32, #tpu.memory_space<vmem>>, vector<16xf32>,
        %get3A_443 = arith.constant 32 : i32
        %get3A_444 = arith.index_cast %get3A_443 : i32 to index
        %get3A_445 = arith.index_cast %mul3A_234 : i32 to index
        %get3A_446 = tpu.vector_load %arg14[%get3A_444, %get3A_445] {strides = array<i32>} : memref<64x768xf32, #tpu.memory_space<vmem>>, vector<16xf32>,
        %get3A_447 = arith.constant 33 : i32
        %get3A_448 = arith.index_cast %get3A_447 : i32 to index
        %get3A_449 = arith.index_cast %mul3A_234 : i32 to index
        %get3A_450 = tpu.vector_load %arg14[%get3A_448, %get3A_449] {strides = array<i32>} : memref<64x768xf32, #tpu.memory_space<vmem>>, vector<16xf32>,
        %get3A_451 = arith.constant 34 : i32
        %get3A_452 = arith.index_cast %get3A_451 : i32 to index
        %get3A_453 = arith.index_cast %mul3A_234 : i32 to index
        %get3A_454 = tpu.vector_load %arg14[%get3A_452, %get3A_453] {strides = array<i32>} : memref<64x768xf32, #tpu.memory_space<vmem>>, vector<16xf32>,
        %get3A_455 = arith.constant 35 : i32
        %get3A_456 = arith.index_cast %get3A_455 : i32 to index
        %get3A_457 = arith.index_cast %mul3A_234 : i32 to index
        %get3A_458 = tpu.vector_load %arg14[%get3A_456, %get3A_457] {strides = array<i32>} : memref<64x768xf32, #tpu.memory_space<vmem>>, vector<16xf32>,
        %add3A_459 = arith.addf %get3A_446, %get3A_450 : vector<16xf32>
        %add3A_460 = arith.addf %add3A_459, %get3A_454 : vector<16xf32>
        %add3A_461 = arith.addf %add3A_460, %get3A_458 : vector<16xf32>
        %mul3A_462 = arith.constant 2.500000e-01 : f32
        %mul3A_463 = vector.broadcast %mul3A_462 : f32 to vector<16xf32>
        %mul3A_464 = arith.mulf %add3A_461, %mul3A_463 : vector<16xf32>
        %swap3A_465 = arith.constant 8 : i32
        %swap3A_466 = arith.index_cast %swap3A_465 : i32 to index
        %swap3A_467 = arith.index_cast %mul3A_234 : i32 to index
        %swap3A_468 = tpu.vector_load %arg16[%swap3A_466, %swap3A_467] {strides = array<i32>} : memref<16x768xf32, #tpu.memory_space<vmem>>, vector<16xf32>,
        tpu.vector_store %arg16[%swap3A_466, %swap3A_467], %mul3A_464 {strides = array<i32>} : memref<16x768xf32, #tpu.memory_space<vmem>>, vector<16xf32>,
        %get3A_469 = arith.constant 36 : i32
        %get3A_470 = arith.index_cast %get3A_469 : i32 to index
        %get3A_471 = arith.index_cast %mul3A_234 : i32 to index
        %get3A_472 = tpu.vector_load %arg14[%get3A_470, %get3A_471] {strides = array<i32>} : memref<64x768xf32, #tpu.memory_space<vmem>>, vector<16xf32>,
        %get3A_473 = arith.constant 37 : i32
        %get3A_474 = arith.index_cast %get3A_473 : i32 to index
        %get3A_475 = arith.index_cast %mul3A_234 : i32 to index
        %get3A_476 = tpu.vector_load %arg14[%get3A_474, %get3A_475] {strides = array<i32>} : memref<64x768xf32, #tpu.memory_space<vmem>>, vector<16xf32>,
        %get3A_477 = arith.constant 38 : i32
        %get3A_478 = arith.index_cast %get3A_477 : i32 to index
        %get3A_479 = arith.index_cast %mul3A_234 : i32 to index
        %get3A_480 = tpu.vector_load %arg14[%get3A_478, %get3A_479] {strides = array<i32>} : memref<64x768xf32, #tpu.memory_space<vmem>>, vector<16xf32>,
        %get3A_481 = arith.constant 39 : i32
        %get3A_482 = arith.index_cast %get3A_481 : i32 to index
        %get3A_483 = arith.index_cast %mul3A_234 : i32 to index
        %get3A_484 = tpu.vector_load %arg14[%get3A_482, %get3A_483] {strides = array<i32>} : memref<64x768xf32, #tpu.memory_space<vmem>>, vector<16xf32>,
        %add3A_485 = arith.addf %get3A_472, %get3A_476 : vector<16xf32>
        %add3A_486 = arith.addf %add3A_485, %get3A_480 : vector<16xf32>
        %add3A_487 = arith.addf %add3A_486, %get3A_484 : vector<16xf32>
        %mul3A_488 = arith.constant 2.500000e-01 : f32
        %mul3A_489 = vector.broadcast %mul3A_488 : f32 to vector<16xf32>
        %mul3A_490 = arith.mulf %add3A_487, %mul3A_489 : vector<16xf32>
        %swap3A_491 = arith.constant 9 : i32
        %swap3A_492 = arith.index_cast %swap3A_491 : i32 to index
        %swap3A_493 = arith.index_cast %mul3A_234 : i32 to index
        %swap3A_494 = tpu.vector_load %arg16[%swap3A_492, %swap3A_493] {strides = array<i32>} : memref<16x768xf32, #tpu.memory_space<vmem>>, vector<16xf32>,
        tpu.vector_store %arg16[%swap3A_492, %swap3A_493], %mul3A_490 {strides = array<i32>} : memref<16x768xf32, #tpu.memory_space<vmem>>, vector<16xf32>,
        %get3A_495 = arith.constant 40 : i32
        %get3A_496 = arith.index_cast %get3A_495 : i32 to index
        %get3A_497 = arith.index_cast %mul3A_234 : i32 to index
        %get3A_498 = tpu.vector_load %arg14[%get3A_496, %get3A_497] {strides = array<i32>} : memref<64x768xf32, #tpu.memory_space<vmem>>, vector<16xf32>,
        %get3A_499 = arith.constant 41 : i32
        %get3A_500 = arith.index_cast %get3A_499 : i32 to index
        %get3A_501 = arith.index_cast %mul3A_234 : i32 to index
        %get3A_502 = tpu.vector_load %arg14[%get3A_500, %get3A_501] {strides = array<i32>} : memref<64x768xf32, #tpu.memory_space<vmem>>, vector<16xf32>,
        %get3A_503 = arith.constant 42 : i32
        %get3A_504 = arith.index_cast %get3A_503 : i32 to index
        %get3A_505 = arith.index_cast %mul3A_234 : i32 to index
        %get3A_506 = tpu.vector_load %arg14[%get3A_504, %get3A_505] {strides = array<i32>} : memref<64x768xf32, #tpu.memory_space<vmem>>, vector<16xf32>,
        %get3A_507 = arith.constant 43 : i32
        %get3A_508 = arith.index_cast %get3A_507 : i32 to index
        %get3A_509 = arith.index_cast %mul3A_234 : i32 to index
        %get3A_510 = tpu.vector_load %arg14[%get3A_508, %get3A_509] {strides = array<i32>} : memref<64x768xf32, #tpu.memory_space<vmem>>, vector<16xf32>,
        %add3A_511 = arith.addf %get3A_498, %get3A_502 : vector<16xf32>
        %add3A_512 = arith.addf %add3A_511, %get3A_506 : vector<16xf32>
        %add3A_513 = arith.addf %add3A_512, %get3A_510 : vector<16xf32>
        %mul3A_514 = arith.constant 2.500000e-01 : f32
        %mul3A_515 = vector.broadcast %mul3A_514 : f32 to vector<16xf32>
        %mul3A_516 = arith.mulf %add3A_513, %mul3A_515 : vector<16xf32>
        %swap3A_517 = arith.constant 10 : i32
        %swap3A_518 = arith.index_cast %swap3A_517 : i32 to index
        %swap3A_519 = arith.index_cast %mul3A_234 : i32 to index
        %swap3A_520 = tpu.vector_load %arg16[%swap3A_518, %swap3A_519] {strides = array<i32>} : memref<16x768xf32, #tpu.memory_space<vmem>>, vector<16xf32>,
        tpu.vector_store %arg16[%swap3A_518, %swap3A_519], %mul3A_516 {strides = array<i32>} : memref<16x768xf32, #tpu.memory_space<vmem>>, vector<16xf32>,
        %get3A_521 = arith.constant 44 : i32
        %get3A_522 = arith.index_cast %get3A_521 : i32 to index
        %get3A_523 = arith.index_cast %mul3A_234 : i32 to index
        %get3A_524 = tpu.vector_load %arg14[%get3A_522, %get3A_523] {strides = array<i32>} : memref<64x768xf32, #tpu.memory_space<vmem>>, vector<16xf32>,
        %get3A_525 = arith.constant 45 : i32
        %get3A_526 = arith.index_cast %get3A_525 : i32 to index
        %get3A_527 = arith.index_cast %mul3A_234 : i32 to index
        %get3A_528 = tpu.vector_load %arg14[%get3A_526, %get3A_527] {strides = array<i32>} : memref<64x768xf32, #tpu.memory_space<vmem>>, vector<16xf32>,
        %get3A_529 = arith.constant 46 : i32
        %get3A_530 = arith.index_cast %get3A_529 : i32 to index
        %get3A_531 = arith.index_cast %mul3A_234 : i32 to index
        %get3A_532 = tpu.vector_load %arg14[%get3A_530, %get3A_531] {strides = array<i32>} : memref<64x768xf32, #tpu.memory_space<vmem>>, vector<16xf32>,
        %get3A_533 = arith.constant 47 : i32
        %get3A_534 = arith.index_cast %get3A_533 : i32 to index
        %get3A_535 = arith.index_cast %mul3A_234 : i32 to index
        %get3A_536 = tpu.vector_load %arg14[%get3A_534, %get3A_535] {strides = array<i32>} : memref<64x768xf32, #tpu.memory_space<vmem>>, vector<16xf32>,
        %add3A_537 = arith.addf %get3A_524, %get3A_528 : vector<16xf32>
        %add3A_538 = arith.addf %add3A_537, %get3A_532 : vector<16xf32>
        %add3A_539 = arith.addf %add3A_538, %get3A_536 : vector<16xf32>
        %mul3A_540 = arith.constant 2.500000e-01 : f32
        %mul3A_541 = vector.broadcast %mul3A_540 : f32 to vector<16xf32>
        %mul3A_542 = arith.mulf %add3A_539, %mul3A_541 : vector<16xf32>
        %swap3A_543 = arith.constant 11 : i32
        %swap3A_544 = arith.index_cast %swap3A_543 : i32 to index
        %swap3A_545 = arith.index_cast %mul3A_234 : i32 to index
        %swap3A_546 = tpu.vector_load %arg16[%swap3A_544, %swap3A_545] {strides = array<i32>} : memref<16x768xf32, #tpu.memory_space<vmem>>, vector<16xf32>,
        tpu.vector_store %arg16[%swap3A_544, %swap3A_545], %mul3A_542 {strides = array<i32>} : memref<16x768xf32, #tpu.memory_space<vmem>>, vector<16xf32>,
        %get3A_547 = arith.constant 48 : i32
        %get3A_548 = arith.index_cast %get3A_547 : i32 to index
        %get3A_549 = arith.index_cast %mul3A_234 : i32 to index
        %get3A_550 = tpu.vector_load %arg14[%get3A_548, %get3A_549] {strides = array<i32>} : memref<64x768xf32, #tpu.memory_space<vmem>>, vector<16xf32>,
        %get3A_551 = arith.constant 49 : i32
        %get3A_552 = arith.index_cast %get3A_551 : i32 to index
        %get3A_553 = arith.index_cast %mul3A_234 : i32 to index
        %get3A_554 = tpu.vector_load %arg14[%get3A_552, %get3A_553] {strides = array<i32>} : memref<64x768xf32, #tpu.memory_space<vmem>>, vector<16xf32>,
        %get3A_555 = arith.constant 50 : i32
        %get3A_556 = arith.index_cast %get3A_555 : i32 to index
        %get3A_557 = arith.index_cast %mul3A_234 : i32 to index
        %get3A_558 = tpu.vector_load %arg14[%get3A_556, %get3A_557] {strides = array<i32>} : memref<64x768xf32, #tpu.memory_space<vmem>>, vector<16xf32>,
        %get3A_559 = arith.constant 51 : i32
        %get3A_560 = arith.index_cast %get3A_559 : i32 to index
        %get3A_561 = arith.index_cast %mul3A_234 : i32 to index
        %get3A_562 = tpu.vector_load %arg14[%get3A_560, %get3A_561] {strides = array<i32>} : memref<64x768xf32, #tpu.memory_space<vmem>>, vector<16xf32>,
        %add3A_563 = arith.addf %get3A_550, %get3A_554 : vector<16xf32>
        %add3A_564 = arith.addf %add3A_563, %get3A_558 : vector<16xf32>
        %add3A_565 = arith.addf %add3A_564, %get3A_562 : vector<16xf32>
        %mul3A_566 = arith.constant 2.500000e-01 : f32
        %mul3A_567 = vector.broadcast %mul3A_566 : f32 to vector<16xf32>
        %mul3A_568 = arith.mulf %add3A_565, %mul3A_567 : vector<16xf32>
        %swap3A_569 = arith.constant 12 : i32
        %swap3A_570 = arith.index_cast %swap3A_569 : i32 to index
        %swap3A_571 = arith.index_cast %mul3A_234 : i32 to index
        %swap3A_572 = tpu.vector_load %arg16[%swap3A_570, %swap3A_571] {strides = array<i32>} : memref<16x768xf32, #tpu.memory_space<vmem>>, vector<16xf32>,
        tpu.vector_store %arg16[%swap3A_570, %swap3A_571], %mul3A_568 {strides = array<i32>} : memref<16x768xf32, #tpu.memory_space<vmem>>, vector<16xf32>,
        %get3A_573 = arith.constant 52 : i32
        %get3A_574 = arith.index_cast %get3A_573 : i32 to index
        %get3A_575 = arith.index_cast %mul3A_234 : i32 to index
        %get3A_576 = tpu.vector_load %arg14[%get3A_574, %get3A_575] {strides = array<i32>} : memref<64x768xf32, #tpu.memory_space<vmem>>, vector<16xf32>,
        %get3A_577 = arith.constant 53 : i32
        %get3A_578 = arith.index_cast %get3A_577 : i32 to index
        %get3A_579 = arith.index_cast %mul3A_234 : i32 to index
        %get3A_580 = tpu.vector_load %arg14[%get3A_578, %get3A_579] {strides = array<i32>} : memref<64x768xf32, #tpu.memory_space<vmem>>, vector<16xf32>,
        %get3A_581 = arith.constant 54 : i32
        %get3A_582 = arith.index_cast %get3A_581 : i32 to index
        %get3A_583 = arith.index_cast %mul3A_234 : i32 to index
        %get3A_584 = tpu.vector_load %arg14[%get3A_582, %get3A_583] {strides = array<i32>} : memref<64x768xf32, #tpu.memory_space<vmem>>, vector<16xf32>,
        %get3A_585 = arith.constant 55 : i32
        %get3A_586 = arith.index_cast %get3A_585 : i32 to index
        %get3A_587 = arith.index_cast %mul3A_234 : i32 to index
        %get3A_588 = tpu.vector_load %arg14[%get3A_586, %get3A_587] {strides = array<i32>} : memref<64x768xf32, #tpu.memory_space<vmem>>, vector<16xf32>,
        %add3A_589 = arith.addf %get3A_576, %get3A_580 : vector<16xf32>
        %add3A_590 = arith.addf %add3A_589, %get3A_584 : vector<16xf32>
        %add3A_591 = arith.addf %add3A_590, %get3A_588 : vector<16xf32>
        %mul3A_592 = arith.constant 2.500000e-01 : f32
        %mul3A_593 = vector.broadcast %mul3A_592 : f32 to vector<16xf32>
        %mul3A_594 = arith.mulf %add3A_591, %mul3A_593 : vector<16xf32>
        %swap3A_595 = arith.constant 13 : i32
        %swap3A_596 = arith.index_cast %swap3A_595 : i32 to index
        %swap3A_597 = arith.index_cast %mul3A_234 : i32 to index
        %swap3A_598 = tpu.vector_load %arg16[%swap3A_596, %swap3A_597] {strides = array<i32>} : memref<16x768xf32, #tpu.memory_space<vmem>>, vector<16xf32>,
        tpu.vector_store %arg16[%swap3A_596, %swap3A_597], %mul3A_594 {strides = array<i32>} : memref<16x768xf32, #tpu.memory_space<vmem>>, vector<16xf32>,
        %get3A_599 = arith.constant 56 : i32
        %get3A_600 = arith.index_cast %get3A_599 : i32 to index
        %get3A_601 = arith.index_cast %mul3A_234 : i32 to index
        %get3A_602 = tpu.vector_load %arg14[%get3A_600, %get3A_601] {strides = array<i32>} : memref<64x768xf32, #tpu.memory_space<vmem>>, vector<16xf32>,
        %get3A_603 = arith.constant 57 : i32
        %get3A_604 = arith.index_cast %get3A_603 : i32 to index
        %get3A_605 = arith.index_cast %mul3A_234 : i32 to index
        %get3A_606 = tpu.vector_load %arg14[%get3A_604, %get3A_605] {strides = array<i32>} : memref<64x768xf32, #tpu.memory_space<vmem>>, vector<16xf32>,
        %get3A_607 = arith.constant 58 : i32
        %get3A_608 = arith.index_cast %get3A_607 : i32 to index
        %get3A_609 = arith.index_cast %mul3A_234 : i32 to index
        %get3A_610 = tpu.vector_load %arg14[%get3A_608, %get3A_609] {strides = array<i32>} : memref<64x768xf32, #tpu.memory_space<vmem>>, vector<16xf32>,
        %get3A_611 = arith.constant 59 : i32
        %get3A_612 = arith.index_cast %get3A_611 : i32 to index
        %get3A_613 = arith.index_cast %mul3A_234 : i32 to index
        %get3A_614 = tpu.vector_load %arg14[%get3A_612, %get3A_613] {strides = array<i32>} : memref<64x768xf32, #tpu.memory_space<vmem>>, vector<16xf32>,
        %add3A_615 = arith.addf %get3A_602, %get3A_606 : vector<16xf32>
        %add3A_616 = arith.addf %add3A_615, %get3A_610 : vector<16xf32>
        %add3A_617 = arith.addf %add3A_616, %get3A_614 : vector<16xf32>
        %mul3A_618 = arith.constant 2.500000e-01 : f32
        %mul3A_619 = vector.broadcast %mul3A_618 : f32 to vector<16xf32>
        %mul3A_620 = arith.mulf %add3A_617, %mul3A_619 : vector<16xf32>
        %swap3A_621 = arith.constant 14 : i32
        %swap3A_622 = arith.index_cast %swap3A_621 : i32 to index
        %swap3A_623 = arith.index_cast %mul3A_234 : i32 to index
        %swap3A_624 = tpu.vector_load %arg16[%swap3A_622, %swap3A_623] {strides = array<i32>} : memref<16x768xf32, #tpu.memory_space<vmem>>, vector<16xf32>,
        tpu.vector_store %arg16[%swap3A_622, %swap3A_623], %mul3A_620 {strides = array<i32>} : memref<16x768xf32, #tpu.memory_space<vmem>>, vector<16xf32>,
        %get3A_625 = arith.constant 60 : i32
        %get3A_626 = arith.index_cast %get3A_625 : i32 to index
        %get3A_627 = arith.index_cast %mul3A_234 : i32 to index
        %get3A_628 = tpu.vector_load %arg14[%get3A_626, %get3A_627] {strides = array<i32>} : memref<64x768xf32, #tpu.memory_space<vmem>>, vector<16xf32>,
        %get3A_629 = arith.constant 61 : i32
        %get3A_630 = arith.index_cast %get3A_629 : i32 to index
        %get3A_631 = arith.index_cast %mul3A_234 : i32 to index
        %get3A_632 = tpu.vector_load %arg14[%get3A_630, %get3A_631] {strides = array<i32>} : memref<64x768xf32, #tpu.memory_space<vmem>>, vector<16xf32>,
        %get3A_633 = arith.constant 62 : i32
        %get3A_634 = arith.index_cast %get3A_633 : i32 to index
        %get3A_635 = arith.index_cast %mul3A_234 : i32 to index
        %get3A_636 = tpu.vector_load %arg14[%get3A_634, %get3A_635] {strides = array<i32>} : memref<64x768xf32, #tpu.memory_space<vmem>>, vector<16xf32>,
        %get3A_637 = arith.constant 63 : i32
        %get3A_638 = arith.index_cast %get3A_637 : i32 to index
        %get3A_639 = arith.index_cast %mul3A_234 : i32 to index
        %get3A_640 = tpu.vector_load %arg14[%get3A_638, %get3A_639] {strides = array<i32>} : memref<64x768xf32, #tpu.memory_space<vmem>>, vector<16xf32>,
        %add3A_641 = arith.addf %get3A_628, %get3A_632 : vector<16xf32>
        %add3A_642 = arith.addf %add3A_641, %get3A_636 : vector<16xf32>
        %add3A_643 = arith.addf %add3A_642, %get3A_640 : vector<16xf32>
        %mul3A_644 = arith.constant 2.500000e-01 : f32
        %mul3A_645 = vector.broadcast %mul3A_644 : f32 to vector<16xf32>
        %mul3A_646 = arith.mulf %add3A_643, %mul3A_645 : vector<16xf32>
        %swap3A_647 = arith.constant 15 : i32
        %swap3A_648 = arith.index_cast %swap3A_647 : i32 to index
        %swap3A_649 = arith.index_cast %mul3A_234 : i32 to index
        %swap3A_650 = tpu.vector_load %arg16[%swap3A_648, %swap3A_649] {strides = array<i32>} : memref<16x768xf32, #tpu.memory_space<vmem>>, vector<16xf32>,
        tpu.vector_store %arg16[%swap3A_648, %swap3A_649], %mul3A_646 {strides = array<i32>} : memref<16x768xf32, #tpu.memory_space<vmem>>, vector<16xf32>,
      }
      %scan3A_185 = arith.constant 48 : i32
      %lt3A_186 = arith.constant 8 : i32
      %lt3A_187 = arith.cmpi slt, %add3A_174, %lt3A_186 : i32
      %convert_element_type3A_188 = arith.extui %lt3A_187 : i1 to i32
      %cond3A_189 = arith.constant 0 : i32
      %cond3A_190 = arith.cmpi ne, %convert_element_type3A_188, %cond3A_189 : i32
      scf.if %cond3A_190 {
        %mul3A_232 = arith.constant 16 : i32
        %mul3A_233 = arith.muli %add3A_174, %mul3A_232 : i32
        %mul3A_234 = arith.constant 4 : i32
        %mul3A_235 = arith.muli %mul3A_233, %mul3A_234 : i32
        %add3A_236 = arith.constant 0 : i32
        %add3A_237 = arith.addi %mul3A_235, %add3A_236 : i32
        %get3A_238 = arith.index_cast %add3A_237 : i32 to index
        %get3A_239 = tpu.vector_load %arg11[%get3A_238] {strides = array<i32>} : memref<512xi32, #tpu.memory_space<vmem>>, vector<16xi32>,
        %add3A_240 = vector.broadcast %mul3A_55 : i32 to vector<16xi32>
        %add3A_241 = arith.addi %get3A_239, %add3A_240 : vector<16xi32>
        %swap3A_242 = arith.constant 0 : index
        %swap3A_243 = tpu.vector_load %arg12[%swap3A_242] {strides = array<i32>} : memref<64xi32, #tpu.memory_space<vmem>>, vector<16xi32>,
        tpu.vector_store %arg12[%swap3A_242], %add3A_241 {strides = array<i32>} : memref<64xi32, #tpu.memory_space<vmem>>, vector<16xi32>,
        %mul3A_244 = arith.constant 16 : i32
        %mul3A_245 = arith.muli %add3A_174, %mul3A_244 : i32
        %mul3A_246 = arith.constant 4 : i32
        %mul3A_247 = arith.muli %mul3A_245, %mul3A_246 : i32
        %add3A_248 = arith.constant 16 : i32
        %add3A_249 = arith.addi %mul3A_247, %add3A_248 : i32
        %get3A_250 = arith.index_cast %add3A_249 : i32 to index
        %get3A_251 = tpu.vector_load %arg11[%get3A_250] {strides = array<i32>} : memref<512xi32, #tpu.memory_space<vmem>>, vector<16xi32>,
        %add3A_252 = vector.broadcast %mul3A_55 : i32 to vector<16xi32>
        %add3A_253 = arith.addi %get3A_251, %add3A_252 : vector<16xi32>
        %swap3A_254 = arith.constant 16 : index
        %swap3A_255 = tpu.vector_load %arg12[%swap3A_254] {strides = array<i32>} : memref<64xi32, #tpu.memory_space<vmem>>, vector<16xi32>,
        tpu.vector_store %arg12[%swap3A_254], %add3A_253 {strides = array<i32>} : memref<64xi32, #tpu.memory_space<vmem>>, vector<16xi32>,
        %mul3A_256 = arith.constant 16 : i32
        %mul3A_257 = arith.muli %add3A_174, %mul3A_256 : i32
        %mul3A_258 = arith.constant 4 : i32
        %mul3A_259 = arith.muli %mul3A_257, %mul3A_258 : i32
        %add3A_260 = arith.constant 32 : i32
        %add3A_261 = arith.addi %mul3A_259, %add3A_260 : i32
        %get3A_262 = arith.index_cast %add3A_261 : i32 to index
        %get3A_263 = tpu.vector_load %arg11[%get3A_262] {strides = array<i32>} : memref<512xi32, #tpu.memory_space<vmem>>, vector<16xi32>,
        %add3A_264 = vector.broadcast %mul3A_55 : i32 to vector<16xi32>
        %add3A_265 = arith.addi %get3A_263, %add3A_264 : vector<16xi32>
        %swap3A_266 = arith.constant 32 : index
        %swap3A_267 = tpu.vector_load %arg12[%swap3A_266] {strides = array<i32>} : memref<64xi32, #tpu.memory_space<vmem>>, vector<16xi32>,
        tpu.vector_store %arg12[%swap3A_266], %add3A_265 {strides = array<i32>} : memref<64xi32, #tpu.memory_space<vmem>>, vector<16xi32>,
        %mul3A_268 = arith.constant 16 : i32
        %mul3A_269 = arith.muli %add3A_174, %mul3A_268 : i32
        %mul3A_270 = arith.constant 4 : i32
        %mul3A_271 = arith.muli %mul3A_269, %mul3A_270 : i32
        %add3A_272 = arith.constant 48 : i32
        %add3A_273 = arith.addi %mul3A_271, %add3A_272 : i32
        %get3A_274 = arith.index_cast %add3A_273 : i32 to index
        %get3A_275 = tpu.vector_load %arg11[%get3A_274] {strides = array<i32>} : memref<512xi32, #tpu.memory_space<vmem>>, vector<16xi32>,
        %add3A_276 = vector.broadcast %mul3A_55 : i32 to vector<16xi32>
        %add3A_277 = arith.addi %get3A_275, %add3A_276 : vector<16xi32>
        %swap3A_278 = arith.constant 48 : index
        %swap3A_279 = tpu.vector_load %arg12[%swap3A_278] {strides = array<i32>} : memref<64xi32, #tpu.memory_space<vmem>>, vector<16xi32>,
        tpu.vector_store %arg12[%swap3A_278], %add3A_277 {strides = array<i32>} : memref<64xi32, #tpu.memory_space<vmem>>, vector<16xi32>,
        %dma_start3A_280 = arith.constant 0 : i32
        %dma_start3A_281 = arith.constant 0 : i32
        %dma_start3A_282 = tpu.memref_slice %arg2[%dma_start3A_280, %dma_start3A_281] : memref<16384x768xf32, #tpu.memory_space<hbm>> -> memref<16384x768xf32, #tpu.memory_space<hbm>>
        tpu.enqueue_indirect_dma source(%dma_start3A_282 : memref<16384x768xf32, #tpu.memory_space<hbm>>) target(%arg14 : memref<64x768xf32, #tpu.memory_space<vmem>>) offsets(%arg12 : memref<64xi32, #tpu.memory_space<vmem>>) semaphore(%arg24 : memref<!tpu.dma_semaphore, #tpu.memory_space<semaphore_mem>>)
      } else {
      }
      %mul3A_191 = arith.constant 16 : i32
      %mul3A_192 = arith.muli %mul3A_170, %mul3A_191 : i32
      %add3A_193 = arith.addi %mul3A_34, %mul3A_192 : i32
      %dma_start3A_194 = arith.constant 0 : i32
      %dma_start3A_195 = tpu.memref_slice %arg7[%add3A_193, %dma_start3A_194] : memref<4096x768xf32, #tpu.memory_space<hbm>> -> memref<16x768xf32, #tpu.memory_space<hbm>>
      %dma_start3A_196 = arith.constant 0 : i32
      %dma_start3A_197 = tpu.memref_slice %arg7[%add3A_193, %dma_start3A_196] : memref<4096x768xf32, #tpu.memory_space<hbm>> -> memref<16x768xf32, #tpu.memory_space<hbm>>
      tpu.enqueue_dma source(%arg16 : memref<16x768xf32, #tpu.memory_space<vmem>>) target(%dma_start3A_197 : memref<16x768xf32, #tpu.memory_space<hbm>>) target_semaphore(%arg26 : memref<!tpu.dma_semaphore, #tpu.memory_space<semaphore_mem>>)
      %mul3A_198 = arith.constant 2 : i32
      %mul3A_199 = arith.muli %mul3A_198, %scan3A_168 : i32
      %add3A_200 = arith.constant 1 : i32
      %add3A_201 = arith.addi %mul3A_199, %add3A_200 : i32
      %mul3A_202 = arith.constant 2 : i32
      %mul3A_203 = arith.muli %mul3A_202, %scan3A_168 : i32
      %add3A_204 = arith.constant 3 : i32
      %add3A_205 = arith.addi %mul3A_203, %add3A_204 : i32
      %dma_wait3A_206 = arith.constant 0 : i32
      %dma_wait3A_207 = arith.constant 0 : i32
      %dma_wait3A_208 = tpu.memref_slice %arg2[%dma_wait3A_206, %dma_wait3A_207] : memref<16384x768xf32, #tpu.memory_space<hbm>> -> memref<16384x768xf32, #tpu.memory_space<hbm>>
      tpu.wait_indirect_dma semaphore(%arg25 : memref<!tpu.dma_semaphore, #tpu.memory_space<semaphore_mem>>) src(%dma_wait3A_208 : memref<16384x768xf32, #tpu.memory_space<hbm>>) dst(%arg15 : memref<64x768xf32, #tpu.memory_space<vmem>>)
      %gt3A_209 = arith.constant 0 : i32
      %gt3A_210 = arith.cmpi sgt, %scan3A_168, %gt3A_209 : i32
      %convert_element_type3A_211 = arith.extui %gt3A_210 : i1 to i32
      %cond3A_212 = arith.constant 0 : i32
      %cond3A_213 = arith.cmpi ne, %convert_element_type3A_211, %cond3A_212 : i32
      scf.if %cond3A_213 {
        %dma_wait3A_232 = arith.constant 0 : i32
        %dma_wait3A_233 = tpu.memref_slice %arg7[%mul3A_34, %dma_wait3A_232] : memref<4096x768xf32, #tpu.memory_space<hbm>> -> memref<16x768xf32, #tpu.memory_space<hbm>>
        %dma_wait3A_234 = arith.constant 0 : i32
        %dma_wait3A_235 = tpu.memref_slice %arg7[%mul3A_34, %dma_wait3A_234] : memref<4096x768xf32, #tpu.memory_space<hbm>> -> memref<16x768xf32, #tpu.memory_space<hbm>>
        tpu.wait_dma2 semaphore(%arg27 : memref<!tpu.dma_semaphore, #tpu.memory_space<semaphore_mem>>) src(%arg17 : memref<16x768xf32, #tpu.memory_space<vmem>>) dst(%dma_wait3A_235 : memref<16x768xf32, #tpu.memory_space<hbm>>)
      } else {
      }
      %scan3A_214 = arith.constant 0 : i32
      %scan3A_215 = arith.constant 0 : i32
      %scan3A_216 = arith.constant 48 : i32
      %scan3A_217 = arith.addi %scan3A_215, %scan3A_216 : i32
      %scan3A_218 = arith.constant 1 : i32
      scf.for %scan3A_232 = %scan3A_215 to %scan3A_217 step %scan3A_218  : i32 {
        %mul3A_233 = arith.constant 16 : i32
        %mul3A_234 = arith.muli %scan3A_232, %mul3A_233 : i32
        %get3A_235 = arith.constant 0 : i32
        %get3A_236 = arith.index_cast %get3A_235 : i32 to index
        %get3A_237 = arith.index_cast %mul3A_234 : i32 to index
        %get3A_238 = tpu.vector_load %arg15[%get3A_236, %get3A_237] {strides = array<i32>} : memref<64x768xf32, #tpu.memory_space<vmem>>, vector<16xf32>,
        %get3A_239 = arith.constant 1 : i32
        %get3A_240 = arith.index_cast %get3A_239 : i32 to index
        %get3A_241 = arith.index_cast %mul3A_234 : i32 to index
        %get3A_242 = tpu.vector_load %arg15[%get3A_240, %get3A_241] {strides = array<i32>} : memref<64x768xf32, #tpu.memory_space<vmem>>, vector<16xf32>,
        %get3A_243 = arith.constant 2 : i32
        %get3A_244 = arith.index_cast %get3A_243 : i32 to index
        %get3A_245 = arith.index_cast %mul3A_234 : i32 to index
        %get3A_246 = tpu.vector_load %arg15[%get3A_244, %get3A_245] {strides = array<i32>} : memref<64x768xf32, #tpu.memory_space<vmem>>, vector<16xf32>,
        %get3A_247 = arith.constant 3 : i32
        %get3A_248 = arith.index_cast %get3A_247 : i32 to index
        %get3A_249 = arith.index_cast %mul3A_234 : i32 to index
        %get3A_250 = tpu.vector_load %arg15[%get3A_248, %get3A_249] {strides = array<i32>} : memref<64x768xf32, #tpu.memory_space<vmem>>, vector<16xf32>,
        %add3A_251 = arith.addf %get3A_238, %get3A_242 : vector<16xf32>
        %add3A_252 = arith.addf %add3A_251, %get3A_246 : vector<16xf32>
        %add3A_253 = arith.addf %add3A_252, %get3A_250 : vector<16xf32>
        %mul3A_254 = arith.constant 2.500000e-01 : f32
        %mul3A_255 = vector.broadcast %mul3A_254 : f32 to vector<16xf32>
        %mul3A_256 = arith.mulf %add3A_253, %mul3A_255 : vector<16xf32>
        %swap3A_257 = arith.constant 0 : i32
        %swap3A_258 = arith.index_cast %swap3A_257 : i32 to index
        %swap3A_259 = arith.index_cast %mul3A_234 : i32 to index
        %swap3A_260 = tpu.vector_load %arg17[%swap3A_258, %swap3A_259] {strides = array<i32>} : memref<16x768xf32, #tpu.memory_space<vmem>>, vector<16xf32>,
        tpu.vector_store %arg17[%swap3A_258, %swap3A_259], %mul3A_256 {strides = array<i32>} : memref<16x768xf32, #tpu.memory_space<vmem>>, vector<16xf32>,
        %get3A_261 = arith.constant 4 : i32
        %get3A_262 = arith.index_cast %get3A_261 : i32 to index
        %get3A_263 = arith.index_cast %mul3A_234 : i32 to index
        %get3A_264 = tpu.vector_load %arg15[%get3A_262, %get3A_263] {strides = array<i32>} : memref<64x768xf32, #tpu.memory_space<vmem>>, vector<16xf32>,
        %get3A_265 = arith.constant 5 : i32
        %get3A_266 = arith.index_cast %get3A_265 : i32 to index
        %get3A_267 = arith.index_cast %mul3A_234 : i32 to index
        %get3A_268 = tpu.vector_load %arg15[%get3A_266, %get3A_267] {strides = array<i32>} : memref<64x768xf32, #tpu.memory_space<vmem>>, vector<16xf32>,
        %get3A_269 = arith.constant 6 : i32
        %get3A_270 = arith.index_cast %get3A_269 : i32 to index
        %get3A_271 = arith.index_cast %mul3A_234 : i32 to index
        %get3A_272 = tpu.vector_load %arg15[%get3A_270, %get3A_271] {strides = array<i32>} : memref<64x768xf32, #tpu.memory_space<vmem>>, vector<16xf32>,
        %get3A_273 = arith.constant 7 : i32
        %get3A_274 = arith.index_cast %get3A_273 : i32 to index
        %get3A_275 = arith.index_cast %mul3A_234 : i32 to index
        %get3A_276 = tpu.vector_load %arg15[%get3A_274, %get3A_275] {strides = array<i32>} : memref<64x768xf32, #tpu.memory_space<vmem>>, vector<16xf32>,
        %add3A_277 = arith.addf %get3A_264, %get3A_268 : vector<16xf32>
        %add3A_278 = arith.addf %add3A_277, %get3A_272 : vector<16xf32>
        %add3A_279 = arith.addf %add3A_278, %get3A_276 : vector<16xf32>
        %mul3A_280 = arith.constant 2.500000e-01 : f32
        %mul3A_281 = vector.broadcast %mul3A_280 : f32 to vector<16xf32>
        %mul3A_282 = arith.mulf %add3A_279, %mul3A_281 : vector<16xf32>
        %swap3A_283 = arith.constant 1 : i32
        %swap3A_284 = arith.index_cast %swap3A_283 : i32 to index
        %swap3A_285 = arith.index_cast %mul3A_234 : i32 to index
        %swap3A_286 = tpu.vector_load %arg17[%swap3A_284, %swap3A_285] {strides = array<i32>} : memref<16x768xf32, #tpu.memory_space<vmem>>, vector<16xf32>,
        tpu.vector_store %arg17[%swap3A_284, %swap3A_285], %mul3A_282 {strides = array<i32>} : memref<16x768xf32, #tpu.memory_space<vmem>>, vector<16xf32>,
        %get3A_287 = arith.constant 8 : i32
        %get3A_288 = arith.index_cast %get3A_287 : i32 to index
        %get3A_289 = arith.index_cast %mul3A_234 : i32 to index
        %get3A_290 = tpu.vector_load %arg15[%get3A_288, %get3A_289] {strides = array<i32>} : memref<64x768xf32, #tpu.memory_space<vmem>>, vector<16xf32>,
        %get3A_291 = arith.constant 9 : i32
        %get3A_292 = arith.index_cast %get3A_291 : i32 to index
        %get3A_293 = arith.index_cast %mul3A_234 : i32 to index
        %get3A_294 = tpu.vector_load %arg15[%get3A_292, %get3A_293] {strides = array<i32>} : memref<64x768xf32, #tpu.memory_space<vmem>>, vector<16xf32>,
        %get3A_295 = arith.constant 10 : i32
        %get3A_296 = arith.index_cast %get3A_295 : i32 to index
        %get3A_297 = arith.index_cast %mul3A_234 : i32 to index
        %get3A_298 = tpu.vector_load %arg15[%get3A_296, %get3A_297] {strides = array<i32>} : memref<64x768xf32, #tpu.memory_space<vmem>>, vector<16xf32>,
        %get3A_299 = arith.constant 11 : i32
        %get3A_300 = arith.index_cast %get3A_299 : i32 to index
        %get3A_301 = arith.index_cast %mul3A_234 : i32 to index
        %get3A_302 = tpu.vector_load %arg15[%get3A_300, %get3A_301] {strides = array<i32>} : memref<64x768xf32, #tpu.memory_space<vmem>>, vector<16xf32>,
        %add3A_303 = arith.addf %get3A_290, %get3A_294 : vector<16xf32>
        %add3A_304 = arith.addf %add3A_303, %get3A_298 : vector<16xf32>
        %add3A_305 = arith.addf %add3A_304, %get3A_302 : vector<16xf32>
        %mul3A_306 = arith.constant 2.500000e-01 : f32
        %mul3A_307 = vector.broadcast %mul3A_306 : f32 to vector<16xf32>
        %mul3A_308 = arith.mulf %add3A_305, %mul3A_307 : vector<16xf32>
        %swap3A_309 = arith.constant 2 : i32
        %swap3A_310 = arith.index_cast %swap3A_309 : i32 to index
        %swap3A_311 = arith.index_cast %mul3A_234 : i32 to index
        %swap3A_312 = tpu.vector_load %arg17[%swap3A_310, %swap3A_311] {strides = array<i32>} : memref<16x768xf32, #tpu.memory_space<vmem>>, vector<16xf32>,
        tpu.vector_store %arg17[%swap3A_310, %swap3A_311], %mul3A_308 {strides = array<i32>} : memref<16x768xf32, #tpu.memory_space<vmem>>, vector<16xf32>,
        %get3A_313 = arith.constant 12 : i32
        %get3A_314 = arith.index_cast %get3A_313 : i32 to index
        %get3A_315 = arith.index_cast %mul3A_234 : i32 to index
        %get3A_316 = tpu.vector_load %arg15[%get3A_314, %get3A_315] {strides = array<i32>} : memref<64x768xf32, #tpu.memory_space<vmem>>, vector<16xf32>,
        %get3A_317 = arith.constant 13 : i32
        %get3A_318 = arith.index_cast %get3A_317 : i32 to index
        %get3A_319 = arith.index_cast %mul3A_234 : i32 to index
        %get3A_320 = tpu.vector_load %arg15[%get3A_318, %get3A_319] {strides = array<i32>} : memref<64x768xf32, #tpu.memory_space<vmem>>, vector<16xf32>,
        %get3A_321 = arith.constant 14 : i32
        %get3A_322 = arith.index_cast %get3A_321 : i32 to index
        %get3A_323 = arith.index_cast %mul3A_234 : i32 to index
        %get3A_324 = tpu.vector_load %arg15[%get3A_322, %get3A_323] {strides = array<i32>} : memref<64x768xf32, #tpu.memory_space<vmem>>, vector<16xf32>,
        %get3A_325 = arith.constant 15 : i32
        %get3A_326 = arith.index_cast %get3A_325 : i32 to index
        %get3A_327 = arith.index_cast %mul3A_234 : i32 to index
        %get3A_328 = tpu.vector_load %arg15[%get3A_326, %get3A_327] {strides = array<i32>} : memref<64x768xf32, #tpu.memory_space<vmem>>, vector<16xf32>,
        %add3A_329 = arith.addf %get3A_316, %get3A_320 : vector<16xf32>
        %add3A_330 = arith.addf %add3A_329, %get3A_324 : vector<16xf32>
        %add3A_331 = arith.addf %add3A_330, %get3A_328 : vector<16xf32>
        %mul3A_332 = arith.constant 2.500000e-01 : f32
        %mul3A_333 = vector.broadcast %mul3A_332 : f32 to vector<16xf32>
        %mul3A_334 = arith.mulf %add3A_331, %mul3A_333 : vector<16xf32>
        %swap3A_335 = arith.constant 3 : i32
        %swap3A_336 = arith.index_cast %swap3A_335 : i32 to index
        %swap3A_337 = arith.index_cast %mul3A_234 : i32 to index
        %swap3A_338 = tpu.vector_load %arg17[%swap3A_336, %swap3A_337] {strides = array<i32>} : memref<16x768xf32, #tpu.memory_space<vmem>>, vector<16xf32>,
        tpu.vector_store %arg17[%swap3A_336, %swap3A_337], %mul3A_334 {strides = array<i32>} : memref<16x768xf32, #tpu.memory_space<vmem>>, vector<16xf32>,
        %get3A_339 = arith.constant 16 : i32
        %get3A_340 = arith.index_cast %get3A_339 : i32 to index
        %get3A_341 = arith.index_cast %mul3A_234 : i32 to index
        %get3A_342 = tpu.vector_load %arg15[%get3A_340, %get3A_341] {strides = array<i32>} : memref<64x768xf32, #tpu.memory_space<vmem>>, vector<16xf32>,
        %get3A_343 = arith.constant 17 : i32
        %get3A_344 = arith.index_cast %get3A_343 : i32 to index
        %get3A_345 = arith.index_cast %mul3A_234 : i32 to index
        %get3A_346 = tpu.vector_load %arg15[%get3A_344, %get3A_345] {strides = array<i32>} : memref<64x768xf32, #tpu.memory_space<vmem>>, vector<16xf32>,
        %get3A_347 = arith.constant 18 : i32
        %get3A_348 = arith.index_cast %get3A_347 : i32 to index
        %get3A_349 = arith.index_cast %mul3A_234 : i32 to index
        %get3A_350 = tpu.vector_load %arg15[%get3A_348, %get3A_349] {strides = array<i32>} : memref<64x768xf32, #tpu.memory_space<vmem>>, vector<16xf32>,
        %get3A_351 = arith.constant 19 : i32
        %get3A_352 = arith.index_cast %get3A_351 : i32 to index
        %get3A_353 = arith.index_cast %mul3A_234 : i32 to index
        %get3A_354 = tpu.vector_load %arg15[%get3A_352, %get3A_353] {strides = array<i32>} : memref<64x768xf32, #tpu.memory_space<vmem>>, vector<16xf32>,
        %add3A_355 = arith.addf %get3A_342, %get3A_346 : vector<16xf32>
        %add3A_356 = arith.addf %add3A_355, %get3A_350 : vector<16xf32>
        %add3A_357 = arith.addf %add3A_356, %get3A_354 : vector<16xf32>
        %mul3A_358 = arith.constant 2.500000e-01 : f32
        %mul3A_359 = vector.broadcast %mul3A_358 : f32 to vector<16xf32>
        %mul3A_360 = arith.mulf %add3A_357, %mul3A_359 : vector<16xf32>
        %swap3A_361 = arith.constant 4 : i32
        %swap3A_362 = arith.index_cast %swap3A_361 : i32 to index
        %swap3A_363 = arith.index_cast %mul3A_234 : i32 to index
        %swap3A_364 = tpu.vector_load %arg17[%swap3A_362, %swap3A_363] {strides = array<i32>} : memref<16x768xf32, #tpu.memory_space<vmem>>, vector<16xf32>,
        tpu.vector_store %arg17[%swap3A_362, %swap3A_363], %mul3A_360 {strides = array<i32>} : memref<16x768xf32, #tpu.memory_space<vmem>>, vector<16xf32>,
        %get3A_365 = arith.constant 20 : i32
        %get3A_366 = arith.index_cast %get3A_365 : i32 to index
        %get3A_367 = arith.index_cast %mul3A_234 : i32 to index
        %get3A_368 = tpu.vector_load %arg15[%get3A_366, %get3A_367] {strides = array<i32>} : memref<64x768xf32, #tpu.memory_space<vmem>>, vector<16xf32>,
        %get3A_369 = arith.constant 21 : i32
        %get3A_370 = arith.index_cast %get3A_369 : i32 to index
        %get3A_371 = arith.index_cast %mul3A_234 : i32 to index
        %get3A_372 = tpu.vector_load %arg15[%get3A_370, %get3A_371] {strides = array<i32>} : memref<64x768xf32, #tpu.memory_space<vmem>>, vector<16xf32>,
        %get3A_373 = arith.constant 22 : i32
        %get3A_374 = arith.index_cast %get3A_373 : i32 to index
        %get3A_375 = arith.index_cast %mul3A_234 : i32 to index
        %get3A_376 = tpu.vector_load %arg15[%get3A_374, %get3A_375] {strides = array<i32>} : memref<64x768xf32, #tpu.memory_space<vmem>>, vector<16xf32>,
        %get3A_377 = arith.constant 23 : i32
        %get3A_378 = arith.index_cast %get3A_377 : i32 to index
        %get3A_379 = arith.index_cast %mul3A_234 : i32 to index
        %get3A_380 = tpu.vector_load %arg15[%get3A_378, %get3A_379] {strides = array<i32>} : memref<64x768xf32, #tpu.memory_space<vmem>>, vector<16xf32>,
        %add3A_381 = arith.addf %get3A_368, %get3A_372 : vector<16xf32>
        %add3A_382 = arith.addf %add3A_381, %get3A_376 : vector<16xf32>
        %add3A_383 = arith.addf %add3A_382, %get3A_380 : vector<16xf32>
        %mul3A_384 = arith.constant 2.500000e-01 : f32
        %mul3A_385 = vector.broadcast %mul3A_384 : f32 to vector<16xf32>
        %mul3A_386 = arith.mulf %add3A_383, %mul3A_385 : vector<16xf32>
        %swap3A_387 = arith.constant 5 : i32
        %swap3A_388 = arith.index_cast %swap3A_387 : i32 to index
        %swap3A_389 = arith.index_cast %mul3A_234 : i32 to index
        %swap3A_390 = tpu.vector_load %arg17[%swap3A_388, %swap3A_389] {strides = array<i32>} : memref<16x768xf32, #tpu.memory_space<vmem>>, vector<16xf32>,
        tpu.vector_store %arg17[%swap3A_388, %swap3A_389], %mul3A_386 {strides = array<i32>} : memref<16x768xf32, #tpu.memory_space<vmem>>, vector<16xf32>,
        %get3A_391 = arith.constant 24 : i32
        %get3A_392 = arith.index_cast %get3A_391 : i32 to index
        %get3A_393 = arith.index_cast %mul3A_234 : i32 to index
        %get3A_394 = tpu.vector_load %arg15[%get3A_392, %get3A_393] {strides = array<i32>} : memref<64x768xf32, #tpu.memory_space<vmem>>, vector<16xf32>,
        %get3A_395 = arith.constant 25 : i32
        %get3A_396 = arith.index_cast %get3A_395 : i32 to index
        %get3A_397 = arith.index_cast %mul3A_234 : i32 to index
        %get3A_398 = tpu.vector_load %arg15[%get3A_396, %get3A_397] {strides = array<i32>} : memref<64x768xf32, #tpu.memory_space<vmem>>, vector<16xf32>,
        %get3A_399 = arith.constant 26 : i32
        %get3A_400 = arith.index_cast %get3A_399 : i32 to index
        %get3A_401 = arith.index_cast %mul3A_234 : i32 to index
        %get3A_402 = tpu.vector_load %arg15[%get3A_400, %get3A_401] {strides = array<i32>} : memref<64x768xf32, #tpu.memory_space<vmem>>, vector<16xf32>,
        %get3A_403 = arith.constant 27 : i32
        %get3A_404 = arith.index_cast %get3A_403 : i32 to index
        %get3A_405 = arith.index_cast %mul3A_234 : i32 to index
        %get3A_406 = tpu.vector_load %arg15[%get3A_404, %get3A_405] {strides = array<i32>} : memref<64x768xf32, #tpu.memory_space<vmem>>, vector<16xf32>,
        %add3A_407 = arith.addf %get3A_394, %get3A_398 : vector<16xf32>
        %add3A_408 = arith.addf %add3A_407, %get3A_402 : vector<16xf32>
        %add3A_409 = arith.addf %add3A_408, %get3A_406 : vector<16xf32>
        %mul3A_410 = arith.constant 2.500000e-01 : f32
        %mul3A_411 = vector.broadcast %mul3A_410 : f32 to vector<16xf32>
        %mul3A_412 = arith.mulf %add3A_409, %mul3A_411 : vector<16xf32>
        %swap3A_413 = arith.constant 6 : i32
        %swap3A_414 = arith.index_cast %swap3A_413 : i32 to index
        %swap3A_415 = arith.index_cast %mul3A_234 : i32 to index
        %swap3A_416 = tpu.vector_load %arg17[%swap3A_414, %swap3A_415] {strides = array<i32>} : memref<16x768xf32, #tpu.memory_space<vmem>>, vector<16xf32>,
        tpu.vector_store %arg17[%swap3A_414, %swap3A_415], %mul3A_412 {strides = array<i32>} : memref<16x768xf32, #tpu.memory_space<vmem>>, vector<16xf32>,
        %get3A_417 = arith.constant 28 : i32
        %get3A_418 = arith.index_cast %get3A_417 : i32 to index
        %get3A_419 = arith.index_cast %mul3A_234 : i32 to index
        %get3A_420 = tpu.vector_load %arg15[%get3A_418, %get3A_419] {strides = array<i32>} : memref<64x768xf32, #tpu.memory_space<vmem>>, vector<16xf32>,
        %get3A_421 = arith.constant 29 : i32
        %get3A_422 = arith.index_cast %get3A_421 : i32 to index
        %get3A_423 = arith.index_cast %mul3A_234 : i32 to index
        %get3A_424 = tpu.vector_load %arg15[%get3A_422, %get3A_423] {strides = array<i32>} : memref<64x768xf32, #tpu.memory_space<vmem>>, vector<16xf32>,
        %get3A_425 = arith.constant 30 : i32
        %get3A_426 = arith.index_cast %get3A_425 : i32 to index
        %get3A_427 = arith.index_cast %mul3A_234 : i32 to index
        %get3A_428 = tpu.vector_load %arg15[%get3A_426, %get3A_427] {strides = array<i32>} : memref<64x768xf32, #tpu.memory_space<vmem>>, vector<16xf32>,
        %get3A_429 = arith.constant 31 : i32
        %get3A_430 = arith.index_cast %get3A_429 : i32 to index
        %get3A_431 = arith.index_cast %mul3A_234 : i32 to index
        %get3A_432 = tpu.vector_load %arg15[%get3A_430, %get3A_431] {strides = array<i32>} : memref<64x768xf32, #tpu.memory_space<vmem>>, vector<16xf32>,
        %add3A_433 = arith.addf %get3A_420, %get3A_424 : vector<16xf32>
        %add3A_434 = arith.addf %add3A_433, %get3A_428 : vector<16xf32>
        %add3A_435 = arith.addf %add3A_434, %get3A_432 : vector<16xf32>
        %mul3A_436 = arith.constant 2.500000e-01 : f32
        %mul3A_437 = vector.broadcast %mul3A_436 : f32 to vector<16xf32>
        %mul3A_438 = arith.mulf %add3A_435, %mul3A_437 : vector<16xf32>
        %swap3A_439 = arith.constant 7 : i32
        %swap3A_440 = arith.index_cast %swap3A_439 : i32 to index
        %swap3A_441 = arith.index_cast %mul3A_234 : i32 to index
        %swap3A_442 = tpu.vector_load %arg17[%swap3A_440, %swap3A_441] {strides = array<i32>} : memref<16x768xf32, #tpu.memory_space<vmem>>, vector<16xf32>,
        tpu.vector_store %arg17[%swap3A_440, %swap3A_441], %mul3A_438 {strides = array<i32>} : memref<16x768xf32, #tpu.memory_space<vmem>>, vector<16xf32>,
        %get3A_443 = arith.constant 32 : i32
        %get3A_444 = arith.index_cast %get3A_443 : i32 to index
        %get3A_445 = arith.index_cast %mul3A_234 : i32 to index
        %get3A_446 = tpu.vector_load %arg15[%get3A_444, %get3A_445] {strides = array<i32>} : memref<64x768xf32, #tpu.memory_space<vmem>>, vector<16xf32>,
        %get3A_447 = arith.constant 33 : i32
        %get3A_448 = arith.index_cast %get3A_447 : i32 to index
        %get3A_449 = arith.index_cast %mul3A_234 : i32 to index
        %get3A_450 = tpu.vector_load %arg15[%get3A_448, %get3A_449] {strides = array<i32>} : memref<64x768xf32, #tpu.memory_space<vmem>>, vector<16xf32>,
        %get3A_451 = arith.constant 34 : i32
        %get3A_452 = arith.index_cast %get3A_451 : i32 to index
        %get3A_453 = arith.index_cast %mul3A_234 : i32 to index
        %get3A_454 = tpu.vector_load %arg15[%get3A_452, %get3A_453] {strides = array<i32>} : memref<64x768xf32, #tpu.memory_space<vmem>>, vector<16xf32>,
        %get3A_455 = arith.constant 35 : i32
        %get3A_456 = arith.index_cast %get3A_455 : i32 to index
        %get3A_457 = arith.index_cast %mul3A_234 : i32 to index
        %get3A_458 = tpu.vector_load %arg15[%get3A_456, %get3A_457] {strides = array<i32>} : memref<64x768xf32, #tpu.memory_space<vmem>>, vector<16xf32>,
        %add3A_459 = arith.addf %get3A_446, %get3A_450 : vector<16xf32>
        %add3A_460 = arith.addf %add3A_459, %get3A_454 : vector<16xf32>
        %add3A_461 = arith.addf %add3A_460, %get3A_458 : vector<16xf32>
        %mul3A_462 = arith.constant 2.500000e-01 : f32
        %mul3A_463 = vector.broadcast %mul3A_462 : f32 to vector<16xf32>
        %mul3A_464 = arith.mulf %add3A_461, %mul3A_463 : vector<16xf32>
        %swap3A_465 = arith.constant 8 : i32
        %swap3A_466 = arith.index_cast %swap3A_465 : i32 to index
        %swap3A_467 = arith.index_cast %mul3A_234 : i32 to index
        %swap3A_468 = tpu.vector_load %arg17[%swap3A_466, %swap3A_467] {strides = array<i32>} : memref<16x768xf32, #tpu.memory_space<vmem>>, vector<16xf32>,
        tpu.vector_store %arg17[%swap3A_466, %swap3A_467], %mul3A_464 {strides = array<i32>} : memref<16x768xf32, #tpu.memory_space<vmem>>, vector<16xf32>,
        %get3A_469 = arith.constant 36 : i32
        %get3A_470 = arith.index_cast %get3A_469 : i32 to index
        %get3A_471 = arith.index_cast %mul3A_234 : i32 to index
        %get3A_472 = tpu.vector_load %arg15[%get3A_470, %get3A_471] {strides = array<i32>} : memref<64x768xf32, #tpu.memory_space<vmem>>, vector<16xf32>,
        %get3A_473 = arith.constant 37 : i32
        %get3A_474 = arith.index_cast %get3A_473 : i32 to index
        %get3A_475 = arith.index_cast %mul3A_234 : i32 to index
        %get3A_476 = tpu.vector_load %arg15[%get3A_474, %get3A_475] {strides = array<i32>} : memref<64x768xf32, #tpu.memory_space<vmem>>, vector<16xf32>,
        %get3A_477 = arith.constant 38 : i32
        %get3A_478 = arith.index_cast %get3A_477 : i32 to index
        %get3A_479 = arith.index_cast %mul3A_234 : i32 to index
        %get3A_480 = tpu.vector_load %arg15[%get3A_478, %get3A_479] {strides = array<i32>} : memref<64x768xf32, #tpu.memory_space<vmem>>, vector<16xf32>,
        %get3A_481 = arith.constant 39 : i32
        %get3A_482 = arith.index_cast %get3A_481 : i32 to index
        %get3A_483 = arith.index_cast %mul3A_234 : i32 to index
        %get3A_484 = tpu.vector_load %arg15[%get3A_482, %get3A_483] {strides = array<i32>} : memref<64x768xf32, #tpu.memory_space<vmem>>, vector<16xf32>,
        %add3A_485 = arith.addf %get3A_472, %get3A_476 : vector<16xf32>
        %add3A_486 = arith.addf %add3A_485, %get3A_480 : vector<16xf32>
        %add3A_487 = arith.addf %add3A_486, %get3A_484 : vector<16xf32>
        %mul3A_488 = arith.constant 2.500000e-01 : f32
        %mul3A_489 = vector.broadcast %mul3A_488 : f32 to vector<16xf32>
        %mul3A_490 = arith.mulf %add3A_487, %mul3A_489 : vector<16xf32>
        %swap3A_491 = arith.constant 9 : i32
        %swap3A_492 = arith.index_cast %swap3A_491 : i32 to index
        %swap3A_493 = arith.index_cast %mul3A_234 : i32 to index
        %swap3A_494 = tpu.vector_load %arg17[%swap3A_492, %swap3A_493] {strides = array<i32>} : memref<16x768xf32, #tpu.memory_space<vmem>>, vector<16xf32>,
        tpu.vector_store %arg17[%swap3A_492, %swap3A_493], %mul3A_490 {strides = array<i32>} : memref<16x768xf32, #tpu.memory_space<vmem>>, vector<16xf32>,
        %get3A_495 = arith.constant 40 : i32
        %get3A_496 = arith.index_cast %get3A_495 : i32 to index
        %get3A_497 = arith.index_cast %mul3A_234 : i32 to index
        %get3A_498 = tpu.vector_load %arg15[%get3A_496, %get3A_497] {strides = array<i32>} : memref<64x768xf32, #tpu.memory_space<vmem>>, vector<16xf32>,
        %get3A_499 = arith.constant 41 : i32
        %get3A_500 = arith.index_cast %get3A_499 : i32 to index
        %get3A_501 = arith.index_cast %mul3A_234 : i32 to index
        %get3A_502 = tpu.vector_load %arg15[%get3A_500, %get3A_501] {strides = array<i32>} : memref<64x768xf32, #tpu.memory_space<vmem>>, vector<16xf32>,
        %get3A_503 = arith.constant 42 : i32
        %get3A_504 = arith.index_cast %get3A_503 : i32 to index
        %get3A_505 = arith.index_cast %mul3A_234 : i32 to index
        %get3A_506 = tpu.vector_load %arg15[%get3A_504, %get3A_505] {strides = array<i32>} : memref<64x768xf32, #tpu.memory_space<vmem>>, vector<16xf32>,
        %get3A_507 = arith.constant 43 : i32
        %get3A_508 = arith.index_cast %get3A_507 : i32 to index
        %get3A_509 = arith.index_cast %mul3A_234 : i32 to index
        %get3A_510 = tpu.vector_load %arg15[%get3A_508, %get3A_509] {strides = array<i32>} : memref<64x768xf32, #tpu.memory_space<vmem>>, vector<16xf32>,
        %add3A_511 = arith.addf %get3A_498, %get3A_502 : vector<16xf32>
        %add3A_512 = arith.addf %add3A_511, %get3A_506 : vector<16xf32>
        %add3A_513 = arith.addf %add3A_512, %get3A_510 : vector<16xf32>
        %mul3A_514 = arith.constant 2.500000e-01 : f32
        %mul3A_515 = vector.broadcast %mul3A_514 : f32 to vector<16xf32>
        %mul3A_516 = arith.mulf %add3A_513, %mul3A_515 : vector<16xf32>
        %swap3A_517 = arith.constant 10 : i32
        %swap3A_518 = arith.index_cast %swap3A_517 : i32 to index
        %swap3A_519 = arith.index_cast %mul3A_234 : i32 to index
        %swap3A_520 = tpu.vector_load %arg17[%swap3A_518, %swap3A_519] {strides = array<i32>} : memref<16x768xf32, #tpu.memory_space<vmem>>, vector<16xf32>,
        tpu.vector_store %arg17[%swap3A_518, %swap3A_519], %mul3A_516 {strides = array<i32>} : memref<16x768xf32, #tpu.memory_space<vmem>>, vector<16xf32>,
        %get3A_521 = arith.constant 44 : i32
        %get3A_522 = arith.index_cast %get3A_521 : i32 to index
        %get3A_523 = arith.index_cast %mul3A_234 : i32 to index
        %get3A_524 = tpu.vector_load %arg15[%get3A_522, %get3A_523] {strides = array<i32>} : memref<64x768xf32, #tpu.memory_space<vmem>>, vector<16xf32>,
        %get3A_525 = arith.constant 45 : i32
        %get3A_526 = arith.index_cast %get3A_525 : i32 to index
        %get3A_527 = arith.index_cast %mul3A_234 : i32 to index
        %get3A_528 = tpu.vector_load %arg15[%get3A_526, %get3A_527] {strides = array<i32>} : memref<64x768xf32, #tpu.memory_space<vmem>>, vector<16xf32>,
        %get3A_529 = arith.constant 46 : i32
        %get3A_530 = arith.index_cast %get3A_529 : i32 to index
        %get3A_531 = arith.index_cast %mul3A_234 : i32 to index
        %get3A_532 = tpu.vector_load %arg15[%get3A_530, %get3A_531] {strides = array<i32>} : memref<64x768xf32, #tpu.memory_space<vmem>>, vector<16xf32>,
        %get3A_533 = arith.constant 47 : i32
        %get3A_534 = arith.index_cast %get3A_533 : i32 to index
        %get3A_535 = arith.index_cast %mul3A_234 : i32 to index
        %get3A_536 = tpu.vector_load %arg15[%get3A_534, %get3A_535] {strides = array<i32>} : memref<64x768xf32, #tpu.memory_space<vmem>>, vector<16xf32>,
        %add3A_537 = arith.addf %get3A_524, %get3A_528 : vector<16xf32>
        %add3A_538 = arith.addf %add3A_537, %get3A_532 : vector<16xf32>
        %add3A_539 = arith.addf %add3A_538, %get3A_536 : vector<16xf32>
        %mul3A_540 = arith.constant 2.500000e-01 : f32
        %mul3A_541 = vector.broadcast %mul3A_540 : f32 to vector<16xf32>
        %mul3A_542 = arith.mulf %add3A_539, %mul3A_541 : vector<16xf32>
        %swap3A_543 = arith.constant 11 : i32
        %swap3A_544 = arith.index_cast %swap3A_543 : i32 to index
        %swap3A_545 = arith.index_cast %mul3A_234 : i32 to index
        %swap3A_546 = tpu.vector_load %arg17[%swap3A_544, %swap3A_545] {strides = array<i32>} : memref<16x768xf32, #tpu.memory_space<vmem>>, vector<16xf32>,
        tpu.vector_store %arg17[%swap3A_544, %swap3A_545], %mul3A_542 {strides = array<i32>} : memref<16x768xf32, #tpu.memory_space<vmem>>, vector<16xf32>,
        %get3A_547 = arith.constant 48 : i32
        %get3A_548 = arith.index_cast %get3A_547 : i32 to index
        %get3A_549 = arith.index_cast %mul3A_234 : i32 to index
        %get3A_550 = tpu.vector_load %arg15[%get3A_548, %get3A_549] {strides = array<i32>} : memref<64x768xf32, #tpu.memory_space<vmem>>, vector<16xf32>,
        %get3A_551 = arith.constant 49 : i32
        %get3A_552 = arith.index_cast %get3A_551 : i32 to index
        %get3A_553 = arith.index_cast %mul3A_234 : i32 to index
        %get3A_554 = tpu.vector_load %arg15[%get3A_552, %get3A_553] {strides = array<i32>} : memref<64x768xf32, #tpu.memory_space<vmem>>, vector<16xf32>,
        %get3A_555 = arith.constant 50 : i32
        %get3A_556 = arith.index_cast %get3A_555 : i32 to index
        %get3A_557 = arith.index_cast %mul3A_234 : i32 to index
        %get3A_558 = tpu.vector_load %arg15[%get3A_556, %get3A_557] {strides = array<i32>} : memref<64x768xf32, #tpu.memory_space<vmem>>, vector<16xf32>,
        %get3A_559 = arith.constant 51 : i32
        %get3A_560 = arith.index_cast %get3A_559 : i32 to index
        %get3A_561 = arith.index_cast %mul3A_234 : i32 to index
        %get3A_562 = tpu.vector_load %arg15[%get3A_560, %get3A_561] {strides = array<i32>} : memref<64x768xf32, #tpu.memory_space<vmem>>, vector<16xf32>,
        %add3A_563 = arith.addf %get3A_550, %get3A_554 : vector<16xf32>
        %add3A_564 = arith.addf %add3A_563, %get3A_558 : vector<16xf32>
        %add3A_565 = arith.addf %add3A_564, %get3A_562 : vector<16xf32>
        %mul3A_566 = arith.constant 2.500000e-01 : f32
        %mul3A_567 = vector.broadcast %mul3A_566 : f32 to vector<16xf32>
        %mul3A_568 = arith.mulf %add3A_565, %mul3A_567 : vector<16xf32>
        %swap3A_569 = arith.constant 12 : i32
        %swap3A_570 = arith.index_cast %swap3A_569 : i32 to index
        %swap3A_571 = arith.index_cast %mul3A_234 : i32 to index
        %swap3A_572 = tpu.vector_load %arg17[%swap3A_570, %swap3A_571] {strides = array<i32>} : memref<16x768xf32, #tpu.memory_space<vmem>>, vector<16xf32>,
        tpu.vector_store %arg17[%swap3A_570, %swap3A_571], %mul3A_568 {strides = array<i32>} : memref<16x768xf32, #tpu.memory_space<vmem>>, vector<16xf32>,
        %get3A_573 = arith.constant 52 : i32
        %get3A_574 = arith.index_cast %get3A_573 : i32 to index
        %get3A_575 = arith.index_cast %mul3A_234 : i32 to index
        %get3A_576 = tpu.vector_load %arg15[%get3A_574, %get3A_575] {strides = array<i32>} : memref<64x768xf32, #tpu.memory_space<vmem>>, vector<16xf32>,
        %get3A_577 = arith.constant 53 : i32
        %get3A_578 = arith.index_cast %get3A_577 : i32 to index
        %get3A_579 = arith.index_cast %mul3A_234 : i32 to index
        %get3A_580 = tpu.vector_load %arg15[%get3A_578, %get3A_579] {strides = array<i32>} : memref<64x768xf32, #tpu.memory_space<vmem>>, vector<16xf32>,
        %get3A_581 = arith.constant 54 : i32
        %get3A_582 = arith.index_cast %get3A_581 : i32 to index
        %get3A_583 = arith.index_cast %mul3A_234 : i32 to index
        %get3A_584 = tpu.vector_load %arg15[%get3A_582, %get3A_583] {strides = array<i32>} : memref<64x768xf32, #tpu.memory_space<vmem>>, vector<16xf32>,
        %get3A_585 = arith.constant 55 : i32
        %get3A_586 = arith.index_cast %get3A_585 : i32 to index
        %get3A_587 = arith.index_cast %mul3A_234 : i32 to index
        %get3A_588 = tpu.vector_load %arg15[%get3A_586, %get3A_587] {strides = array<i32>} : memref<64x768xf32, #tpu.memory_space<vmem>>, vector<16xf32>,
        %add3A_589 = arith.addf %get3A_576, %get3A_580 : vector<16xf32>
        %add3A_590 = arith.addf %add3A_589, %get3A_584 : vector<16xf32>
        %add3A_591 = arith.addf %add3A_590, %get3A_588 : vector<16xf32>
        %mul3A_592 = arith.constant 2.500000e-01 : f32
        %mul3A_593 = vector.broadcast %mul3A_592 : f32 to vector<16xf32>
        %mul3A_594 = arith.mulf %add3A_591, %mul3A_593 : vector<16xf32>
        %swap3A_595 = arith.constant 13 : i32
        %swap3A_596 = arith.index_cast %swap3A_595 : i32 to index
        %swap3A_597 = arith.index_cast %mul3A_234 : i32 to index
        %swap3A_598 = tpu.vector_load %arg17[%swap3A_596, %swap3A_597] {strides = array<i32>} : memref<16x768xf32, #tpu.memory_space<vmem>>, vector<16xf32>,
        tpu.vector_store %arg17[%swap3A_596, %swap3A_597], %mul3A_594 {strides = array<i32>} : memref<16x768xf32, #tpu.memory_space<vmem>>, vector<16xf32>,
        %get3A_599 = arith.constant 56 : i32
        %get3A_600 = arith.index_cast %get3A_599 : i32 to index
        %get3A_601 = arith.index_cast %mul3A_234 : i32 to index
        %get3A_602 = tpu.vector_load %arg15[%get3A_600, %get3A_601] {strides = array<i32>} : memref<64x768xf32, #tpu.memory_space<vmem>>, vector<16xf32>,
        %get3A_603 = arith.constant 57 : i32
        %get3A_604 = arith.index_cast %get3A_603 : i32 to index
        %get3A_605 = arith.index_cast %mul3A_234 : i32 to index
        %get3A_606 = tpu.vector_load %arg15[%get3A_604, %get3A_605] {strides = array<i32>} : memref<64x768xf32, #tpu.memory_space<vmem>>, vector<16xf32>,
        %get3A_607 = arith.constant 58 : i32
        %get3A_608 = arith.index_cast %get3A_607 : i32 to index
        %get3A_609 = arith.index_cast %mul3A_234 : i32 to index
        %get3A_610 = tpu.vector_load %arg15[%get3A_608, %get3A_609] {strides = array<i32>} : memref<64x768xf32, #tpu.memory_space<vmem>>, vector<16xf32>,
        %get3A_611 = arith.constant 59 : i32
        %get3A_612 = arith.index_cast %get3A_611 : i32 to index
        %get3A_613 = arith.index_cast %mul3A_234 : i32 to index
        %get3A_614 = tpu.vector_load %arg15[%get3A_612, %get3A_613] {strides = array<i32>} : memref<64x768xf32, #tpu.memory_space<vmem>>, vector<16xf32>,
        %add3A_615 = arith.addf %get3A_602, %get3A_606 : vector<16xf32>
        %add3A_616 = arith.addf %add3A_615, %get3A_610 : vector<16xf32>
        %add3A_617 = arith.addf %add3A_616, %get3A_614 : vector<16xf32>
        %mul3A_618 = arith.constant 2.500000e-01 : f32
        %mul3A_619 = vector.broadcast %mul3A_618 : f32 to vector<16xf32>
        %mul3A_620 = arith.mulf %add3A_617, %mul3A_619 : vector<16xf32>
        %swap3A_621 = arith.constant 14 : i32
        %swap3A_622 = arith.index_cast %swap3A_621 : i32 to index
        %swap3A_623 = arith.index_cast %mul3A_234 : i32 to index
        %swap3A_624 = tpu.vector_load %arg17[%swap3A_622, %swap3A_623] {strides = array<i32>} : memref<16x768xf32, #tpu.memory_space<vmem>>, vector<16xf32>,
        tpu.vector_store %arg17[%swap3A_622, %swap3A_623], %mul3A_620 {strides = array<i32>} : memref<16x768xf32, #tpu.memory_space<vmem>>, vector<16xf32>,
        %get3A_625 = arith.constant 60 : i32
        %get3A_626 = arith.index_cast %get3A_625 : i32 to index
        %get3A_627 = arith.index_cast %mul3A_234 : i32 to index
        %get3A_628 = tpu.vector_load %arg15[%get3A_626, %get3A_627] {strides = array<i32>} : memref<64x768xf32, #tpu.memory_space<vmem>>, vector<16xf32>,
        %get3A_629 = arith.constant 61 : i32
        %get3A_630 = arith.index_cast %get3A_629 : i32 to index
        %get3A_631 = arith.index_cast %mul3A_234 : i32 to index
        %get3A_632 = tpu.vector_load %arg15[%get3A_630, %get3A_631] {strides = array<i32>} : memref<64x768xf32, #tpu.memory_space<vmem>>, vector<16xf32>,
        %get3A_633 = arith.constant 62 : i32
        %get3A_634 = arith.index_cast %get3A_633 : i32 to index
        %get3A_635 = arith.index_cast %mul3A_234 : i32 to index
        %get3A_636 = tpu.vector_load %arg15[%get3A_634, %get3A_635] {strides = array<i32>} : memref<64x768xf32, #tpu.memory_space<vmem>>, vector<16xf32>,
        %get3A_637 = arith.constant 63 : i32
        %get3A_638 = arith.index_cast %get3A_637 : i32 to index
        %get3A_639 = arith.index_cast %mul3A_234 : i32 to index
        %get3A_640 = tpu.vector_load %arg15[%get3A_638, %get3A_639] {strides = array<i32>} : memref<64x768xf32, #tpu.memory_space<vmem>>, vector<16xf32>,
        %add3A_641 = arith.addf %get3A_628, %get3A_632 : vector<16xf32>
        %add3A_642 = arith.addf %add3A_641, %get3A_636 : vector<16xf32>
        %add3A_643 = arith.addf %add3A_642, %get3A_640 : vector<16xf32>
        %mul3A_644 = arith.constant 2.500000e-01 : f32
        %mul3A_645 = vector.broadcast %mul3A_644 : f32 to vector<16xf32>
        %mul3A_646 = arith.mulf %add3A_643, %mul3A_645 : vector<16xf32>
        %swap3A_647 = arith.constant 15 : i32
        %swap3A_648 = arith.index_cast %swap3A_647 : i32 to index
        %swap3A_649 = arith.index_cast %mul3A_234 : i32 to index
        %swap3A_650 = tpu.vector_load %arg17[%swap3A_648, %swap3A_649] {strides = array<i32>} : memref<16x768xf32, #tpu.memory_space<vmem>>, vector<16xf32>,
        tpu.vector_store %arg17[%swap3A_648, %swap3A_649], %mul3A_646 {strides = array<i32>} : memref<16x768xf32, #tpu.memory_space<vmem>>, vector<16xf32>,
      }
      %scan3A_219 = arith.constant 48 : i32
      %lt3A_220 = arith.constant 8 : i32
      %lt3A_221 = arith.cmpi slt, %add3A_205, %lt3A_220 : i32
      %convert_element_type3A_222 = arith.extui %lt3A_221 : i1 to i32
      %cond3A_223 = arith.constant 0 : i32
      %cond3A_224 = arith.cmpi ne, %convert_element_type3A_222, %cond3A_223 : i32
      scf.if %cond3A_224 {
        %mul3A_232 = arith.constant 16 : i32
        %mul3A_233 = arith.muli %add3A_205, %mul3A_232 : i32
        %mul3A_234 = arith.constant 4 : i32
        %mul3A_235 = arith.muli %mul3A_233, %mul3A_234 : i32
        %add3A_236 = arith.constant 0 : i32
        %add3A_237 = arith.addi %mul3A_235, %add3A_236 : i32
        %get3A_238 = arith.index_cast %add3A_237 : i32 to index
        %get3A_239 = tpu.vector_load %arg11[%get3A_238] {strides = array<i32>} : memref<512xi32, #tpu.memory_space<vmem>>, vector<16xi32>,
        %add3A_240 = vector.broadcast %mul3A_55 : i32 to vector<16xi32>
        %add3A_241 = arith.addi %get3A_239, %add3A_240 : vector<16xi32>
        %swap3A_242 = arith.constant 0 : index
        %swap3A_243 = tpu.vector_load %arg13[%swap3A_242] {strides = array<i32>} : memref<64xi32, #tpu.memory_space<vmem>>, vector<16xi32>,
        tpu.vector_store %arg13[%swap3A_242], %add3A_241 {strides = array<i32>} : memref<64xi32, #tpu.memory_space<vmem>>, vector<16xi32>,
        %mul3A_244 = arith.constant 16 : i32
        %mul3A_245 = arith.muli %add3A_205, %mul3A_244 : i32
        %mul3A_246 = arith.constant 4 : i32
        %mul3A_247 = arith.muli %mul3A_245, %mul3A_246 : i32
        %add3A_248 = arith.constant 16 : i32
        %add3A_249 = arith.addi %mul3A_247, %add3A_248 : i32
        %get3A_250 = arith.index_cast %add3A_249 : i32 to index
        %get3A_251 = tpu.vector_load %arg11[%get3A_250] {strides = array<i32>} : memref<512xi32, #tpu.memory_space<vmem>>, vector<16xi32>,
        %add3A_252 = vector.broadcast %mul3A_55 : i32 to vector<16xi32>
        %add3A_253 = arith.addi %get3A_251, %add3A_252 : vector<16xi32>
        %swap3A_254 = arith.constant 16 : index
        %swap3A_255 = tpu.vector_load %arg13[%swap3A_254] {strides = array<i32>} : memref<64xi32, #tpu.memory_space<vmem>>, vector<16xi32>,
        tpu.vector_store %arg13[%swap3A_254], %add3A_253 {strides = array<i32>} : memref<64xi32, #tpu.memory_space<vmem>>, vector<16xi32>,
        %mul3A_256 = arith.constant 16 : i32
        %mul3A_257 = arith.muli %add3A_205, %mul3A_256 : i32
        %mul3A_258 = arith.constant 4 : i32
        %mul3A_259 = arith.muli %mul3A_257, %mul3A_258 : i32
        %add3A_260 = arith.constant 32 : i32
        %add3A_261 = arith.addi %mul3A_259, %add3A_260 : i32
        %get3A_262 = arith.index_cast %add3A_261 : i32 to index
        %get3A_263 = tpu.vector_load %arg11[%get3A_262] {strides = array<i32>} : memref<512xi32, #tpu.memory_space<vmem>>, vector<16xi32>,
        %add3A_264 = vector.broadcast %mul3A_55 : i32 to vector<16xi32>
        %add3A_265 = arith.addi %get3A_263, %add3A_264 : vector<16xi32>
        %swap3A_266 = arith.constant 32 : index
        %swap3A_267 = tpu.vector_load %arg13[%swap3A_266] {strides = array<i32>} : memref<64xi32, #tpu.memory_space<vmem>>, vector<16xi32>,
        tpu.vector_store %arg13[%swap3A_266], %add3A_265 {strides = array<i32>} : memref<64xi32, #tpu.memory_space<vmem>>, vector<16xi32>,
        %mul3A_268 = arith.constant 16 : i32
        %mul3A_269 = arith.muli %add3A_205, %mul3A_268 : i32
        %mul3A_270 = arith.constant 4 : i32
        %mul3A_271 = arith.muli %mul3A_269, %mul3A_270 : i32
        %add3A_272 = arith.constant 48 : i32
        %add3A_273 = arith.addi %mul3A_271, %add3A_272 : i32
        %get3A_274 = arith.index_cast %add3A_273 : i32 to index
        %get3A_275 = tpu.vector_load %arg11[%get3A_274] {strides = array<i32>} : memref<512xi32, #tpu.memory_space<vmem>>, vector<16xi32>,
        %add3A_276 = vector.broadcast %mul3A_55 : i32 to vector<16xi32>
        %add3A_277 = arith.addi %get3A_275, %add3A_276 : vector<16xi32>
        %swap3A_278 = arith.constant 48 : index
        %swap3A_279 = tpu.vector_load %arg13[%swap3A_278] {strides = array<i32>} : memref<64xi32, #tpu.memory_space<vmem>>, vector<16xi32>,
        tpu.vector_store %arg13[%swap3A_278], %add3A_277 {strides = array<i32>} : memref<64xi32, #tpu.memory_space<vmem>>, vector<16xi32>,
        %dma_start3A_280 = arith.constant 0 : i32
        %dma_start3A_281 = arith.constant 0 : i32
        %dma_start3A_282 = tpu.memref_slice %arg2[%dma_start3A_280, %dma_start3A_281] : memref<16384x768xf32, #tpu.memory_space<hbm>> -> memref<16384x768xf32, #tpu.memory_space<hbm>>
        tpu.enqueue_indirect_dma source(%dma_start3A_282 : memref<16384x768xf32, #tpu.memory_space<hbm>>) target(%arg15 : memref<64x768xf32, #tpu.memory_space<vmem>>) offsets(%arg13 : memref<64xi32, #tpu.memory_space<vmem>>) semaphore(%arg25 : memref<!tpu.dma_semaphore, #tpu.memory_space<semaphore_mem>>)
      } else {
      }
      %mul3A_225 = arith.constant 16 : i32
      %mul3A_226 = arith.muli %add3A_201, %mul3A_225 : i32
      %add3A_227 = arith.addi %mul3A_34, %mul3A_226 : i32
      %dma_start3A_228 = arith.constant 0 : i32
      %dma_start3A_229 = tpu.memref_slice %arg7[%add3A_227, %dma_start3A_228] : memref<4096x768xf32, #tpu.memory_space<hbm>> -> memref<16x768xf32, #tpu.memory_space<hbm>>
      %dma_start3A_230 = arith.constant 0 : i32
      %dma_start3A_231 = tpu.memref_slice %arg7[%add3A_227, %dma_start3A_230] : memref<4096x768xf32, #tpu.memory_space<hbm>> -> memref<16x768xf32, #tpu.memory_space<hbm>>
      tpu.enqueue_dma source(%arg17 : memref<16x768xf32, #tpu.memory_space<vmem>>) target(%dma_start3A_231 : memref<16x768xf32, #tpu.memory_space<hbm>>) target_semaphore(%arg27 : memref<!tpu.dma_semaphore, #tpu.memory_space<semaphore_mem>>)
    }
    %scan3A_147 = arith.constant 4 : i32
    %dma_wait3A_148 = arith.constant 0 : i32
    %dma_wait3A_149 = tpu.memref_slice %arg7[%mul3A_34, %dma_wait3A_148] : memref<4096x768xf32, #tpu.memory_space<hbm>> -> memref<16x768xf32, #tpu.memory_space<hbm>>
    %dma_wait3A_150 = arith.constant 0 : i32
    %dma_wait3A_151 = tpu.memref_slice %arg7[%mul3A_34, %dma_wait3A_150] : memref<4096x768xf32, #tpu.memory_space<hbm>> -> memref<16x768xf32, #tpu.memory_space<hbm>>
    tpu.wait_dma2 semaphore(%arg26 : memref<!tpu.dma_semaphore, #tpu.memory_space<semaphore_mem>>) src(%arg16 : memref<16x768xf32, #tpu.memory_space<vmem>>) dst(%dma_wait3A_151 : memref<16x768xf32, #tpu.memory_space<hbm>>)
    %dma_wait3A_152 = arith.constant 0 : i32
    %dma_wait3A_153 = tpu.memref_slice %arg7[%mul3A_34, %dma_wait3A_152] : memref<4096x768xf32, #tpu.memory_space<hbm>> -> memref<16x768xf32, #tpu.memory_space<hbm>>
    %dma_wait3A_154 = arith.constant 0 : i32
    %dma_wait3A_155 = tpu.memref_slice %arg7[%mul3A_34, %dma_wait3A_154] : memref<4096x768xf32, #tpu.memory_space<hbm>> -> memref<16x768xf32, #tpu.memory_space<hbm>>
    tpu.wait_dma2 semaphore(%arg27 : memref<!tpu.dma_semaphore, #tpu.memory_space<semaphore_mem>>) src(%arg17 : memref<16x768xf32, #tpu.memory_space<vmem>>) dst(%dma_wait3A_155 : memref<16x768xf32, #tpu.memory_space<hbm>>)
    %dma_wait3A_156 = tpu.memref_slice %arg8[%select_n3A, %mul3A_32] : memref<8x512xi32, #tpu.memory_space<hbm>> -> memref<1x128xi32, #tpu.memory_space<hbm>>
    %dma_wait3A_157 = tpu.memref_squeeze %dma_wait3A_156 : memref<1x128xi32, #tpu.memory_space<hbm>> -> memref<128xi32, #tpu.memory_space<hbm>>
    %dma_wait3A_158 = tpu.memref_slice %arg8[%select_n3A, %mul3A_32] : memref<8x512xi32, #tpu.memory_space<hbm>> -> memref<1x128xi32, #tpu.memory_space<hbm>>
    %dma_wait3A_159 = tpu.memref_squeeze %dma_wait3A_158 : memref<1x128xi32, #tpu.memory_space<hbm>> -> memref<128xi32, #tpu.memory_space<hbm>>
    tpu.wait_dma2 semaphore(%arg28 : memref<!tpu.dma_semaphore, #tpu.memory_space<semaphore_mem>>) src(%arg21 : memref<128xi32, #tpu.memory_space<vmem>>) dst(%dma_wait3A_159 : memref<128xi32, #tpu.memory_space<hbm>>)
    %dma_wait3A_160 = tpu.memref_slice %arg9[%select_n3A, %mul3A_32] : memref<8x512xi32, #tpu.memory_space<hbm>> -> memref<1x128xi32, #tpu.memory_space<hbm>>
    %dma_wait3A_161 = tpu.memref_squeeze %dma_wait3A_160 : memref<1x128xi32, #tpu.memory_space<hbm>> -> memref<128xi32, #tpu.memory_space<hbm>>
    %dma_wait3A_162 = tpu.memref_slice %arg9[%select_n3A, %mul3A_32] : memref<8x512xi32, #tpu.memory_space<hbm>> -> memref<1x128xi32, #tpu.memory_space<hbm>>
    %dma_wait3A_163 = tpu.memref_squeeze %dma_wait3A_162 : memref<1x128xi32, #tpu.memory_space<hbm>> -> memref<128xi32, #tpu.memory_space<hbm>>
    tpu.wait_dma2 semaphore(%arg28 : memref<!tpu.dma_semaphore, #tpu.memory_space<semaphore_mem>>) src(%arg22 : memref<128xi32, #tpu.memory_space<vmem>>) dst(%dma_wait3A_163 : memref<128xi32, #tpu.memory_space<hbm>>)
    %dma_wait3A_164 = tpu.memref_slice %arg10[%select_n3A, %mul3A_32] : memref<8x512xi32, #tpu.memory_space<hbm>> -> memref<1x128xi32, #tpu.memory_space<hbm>>
    %dma_wait3A_165 = tpu.memref_squeeze %dma_wait3A_164 : memref<1x128xi32, #tpu.memory_space<hbm>> -> memref<128xi32, #tpu.memory_space<hbm>>
    %dma_wait3A_166 = tpu.memref_slice %arg10[%select_n3A, %mul3A_32] : memref<8x512xi32, #tpu.memory_space<hbm>> -> memref<1x128xi32, #tpu.memory_space<hbm>>
    %dma_wait3A_167 = tpu.memref_squeeze %dma_wait3A_166 : memref<1x128xi32, #tpu.memory_space<hbm>> -> memref<128xi32, #tpu.memory_space<hbm>>
    tpu.wait_dma2 semaphore(%arg28 : memref<!tpu.dma_semaphore, #tpu.memory_space<semaphore_mem>>) src(%arg23 : memref<128xi32, #tpu.memory_space<vmem>>) dst(%dma_wait3A_167 : memref<128xi32, #tpu.memory_space<hbm>>)
    return
  }
}

module attributes {stable_mosaic.version = 14 : i64} {
  func.func @_tc_body(%arg0: i32, %arg1: memref<2048x768xf32, #tpu.memory_space<vmem>>, %arg2: memref<768x768xf32, #tpu.memory_space<vmem>>, %arg3: memref<768xf32, #tpu.memory_space<vmem>>, %arg4: memref<8x512xi32, #tpu.memory_space<vmem>>, %arg5: memref<8x2048xi32, #tpu.memory_space<vmem>>, %arg6: memref<2048x768xf32, #tpu.memory_space<vmem>>, %arg7: memref<1x1xf32, #tpu.memory_space<smem>>) attributes {dimension_semantics = [#tpu.dimension_semantics<arbitrary>], iteration_bounds = array<i64: 2>, scalar_prefetch = 0 : i64, scratch_operands = 0 : i64, tpu.core_type = #tpu.core_type<tc>, window_params = [{transform_indices = @transform_0, window_bounds = array<i64: 2048, 768>}, {pipeline_mode = #tpu.pipeline_mode<synchronous>, transform_indices = @transform_1, window_bounds = array<i64: 768, 768>}, {pipeline_mode = #tpu.pipeline_mode<synchronous>, transform_indices = @transform_2, window_bounds = array<i64: 768>}, {pipeline_mode = #tpu.pipeline_mode<synchronous>, transform_indices = @transform_3, window_bounds = array<i64: 8, 512>}, {pipeline_mode = #tpu.pipeline_mode<synchronous>, transform_indices = @transform_4, window_bounds = array<i64: 8, 2048>}, {transform_indices = @transform_5, window_bounds = array<i64: 2048, 768>}, {transform_indices = @transform_6, window_bounds = array<i64: 1, 1>}]} {
    %get3A = arith.constant 0 : index
    %get3A_0 = arith.constant 0 : index
    %get3A_1 = vector.load %arg1[%get3A, %get3A_0] : memref<2048x768xf32, #tpu.memory_space<vmem>>, vector<2048x768xf32>
    %get3A_2 = arith.constant 0 : index
    %get3A_3 = arith.constant 0 : index
    %get3A_4 = vector.load %arg2[%get3A_2, %get3A_3] : memref<768x768xf32, #tpu.memory_space<vmem>>, vector<768x768xf32>
    %dot_general3A = arith.constant dense<0.000000e+00> : vector<2048x768xf32>
    %dot_general3A_5 = tpu.matmul %get3A_1, %get3A_4, %dot_general3A {dimension_numbers = #tpu.dot_dimension_numbers<[1], [0], [0], [1], [0, 0, 1, 1], [], []>, transpose_lhs_hint = false} : vector<2048x768xf32>, vector<768x768xf32>, vector<2048x768xf32> -> vector<2048x768xf32>
    %get3A_6 = arith.constant 0 : index
    %get3A_7 = vector.load %arg3[%get3A_6] : memref<768xf32, #tpu.memory_space<vmem>>, vector<768xf32>
    %broadcast_in_dim3A = vector.shape_cast %get3A_7 : vector<768xf32> to vector<1x768xf32>
    %add3A = vector.broadcast %broadcast_in_dim3A : vector<1x768xf32> to vector<2048x768xf32>
    %add3A_8 = arith.addf %dot_general3A_5, %add3A : vector<2048x768xf32>
    %tanh3A = math.tanh %add3A_8 : vector<2048x768xf32>
    %swap3A = arith.constant 0 : index
    %swap3A_9 = arith.constant 0 : index
    %swap3A_10 = vector.load %arg6[%swap3A, %swap3A_9] : memref<2048x768xf32, #tpu.memory_space<vmem>>, vector<2048x768xf32>
    tpu.vector_store %arg6[%swap3A, %swap3A_9], %tanh3A {strides = array<i32>} : memref<2048x768xf32, #tpu.memory_space<vmem>>, vector<2048x768xf32>,
    %eq3A = arith.constant 0 : i32
    %eq3A_11 = arith.cmpi eq, %arg0, %eq3A : i32
    %convert_element_type3A = arith.extui %eq3A_11 : i1 to i32
    %cond3A = arith.constant 0 : i32
    %cond3A_12 = arith.cmpi ne, %convert_element_type3A, %cond3A : i32
    scf.if %cond3A_12 {
      %get3A_13 = arith.constant 0 : index
      %get3A_14 = arith.constant 0 : index
      %get3A_15 = vector.load %arg4[%get3A_13, %get3A_14] : memref<8x512xi32, #tpu.memory_space<vmem>>, vector<8x512xi32>
      %reduce_sum3A = vector.shape_cast %get3A_15 : vector<8x512xi32> to vector<1x8x512xi32>
      %reduce_sum3A_16 = arith.constant dense<0> : vector<1xi32>
      %reduce_sum3A_17 = vector.multi_reduction <add>, %reduce_sum3A, %reduce_sum3A_16 [1, 2] : vector<1x8x512xi32> to vector<1xi32>
      %reduce_sum3A_18 = vector.shape_cast %reduce_sum3A_17 : vector<1xi32> to vector<1x1x1xi32>
      %reduce_sum3A_19 = vector.extract %reduce_sum3A_18[0, 0, 0] : i32 from vector<1x1x1xi32>
      %convert_element_type3A_20 = arith.sitofp %reduce_sum3A_19 : i32 to f32
      %get3A_21 = arith.constant 0 : index
      %get3A_22 = arith.constant 0 : index
      %get3A_23 = vector.load %arg5[%get3A_21, %get3A_22] : memref<8x2048xi32, #tpu.memory_space<vmem>>, vector<8x2048xi32>
      %reduce_sum3A_24 = vector.shape_cast %get3A_23 : vector<8x2048xi32> to vector<1x8x2048xi32>
      %reduce_sum3A_25 = arith.constant dense<0> : vector<1xi32>
      %reduce_sum3A_26 = vector.multi_reduction <add>, %reduce_sum3A_24, %reduce_sum3A_25 [1, 2] : vector<1x8x2048xi32> to vector<1xi32>
      %reduce_sum3A_27 = vector.shape_cast %reduce_sum3A_26 : vector<1xi32> to vector<1x1x1xi32>
      %reduce_sum3A_28 = vector.extract %reduce_sum3A_27[0, 0, 0] : i32 from vector<1x1x1xi32>
      %convert_element_type3A_29 = arith.sitofp %reduce_sum3A_28 : i32 to f32
      %div3A = arith.divf %convert_element_type3A_20, %convert_element_type3A_29 : f32
      %swap3A_30 = arith.constant 0 : index
      %swap3A_31 = arith.constant 0 : index
      %swap3A_32 = memref.load %arg7[%swap3A_30, %swap3A_31] : memref<1x1xf32, #tpu.memory_space<smem>>
      memref.store %div3A, %arg7[%swap3A_30, %swap3A_31] : memref<1x1xf32, #tpu.memory_space<smem>>
    } else {
    }
    return
  }
  func.func @transform_0(%arg0: i32) -> (i32, i32) {
    %c0_i32 = arith.constant 0 : i32
    %c0_i32_0 = arith.constant 0 : i32
    return %arg0, %c0_i32 : i32, i32
  }
  func.func @transform_1(%arg0: i32) -> (i32, i32) {
    %c0_i32 = arith.constant 0 : i32
    %c0_i32_0 = arith.constant 0 : i32
    %c0_i32_1 = arith.constant 0 : i32
    return %c0_i32, %c0_i32_0 : i32, i32
  }
  func.func @transform_2(%arg0: i32) -> i32 {
    %c0_i32 = arith.constant 0 : i32
    %c0_i32_0 = arith.constant 0 : i32
    return %c0_i32 : i32
  }
  func.func @transform_3(%arg0: i32) -> (i32, i32) {
    %c0_i32 = arith.constant 0 : i32
    %c0_i32_0 = arith.constant 0 : i32
    %c0_i32_1 = arith.constant 0 : i32
    return %c0_i32, %c0_i32_0 : i32, i32
  }
  func.func @transform_4(%arg0: i32) -> (i32, i32) {
    %c0_i32 = arith.constant 0 : i32
    %c0_i32_0 = arith.constant 0 : i32
    %c0_i32_1 = arith.constant 0 : i32
    return %c0_i32, %c0_i32_0 : i32, i32
  }
  func.func @transform_5(%arg0: i32) -> (i32, i32) {
    %c0_i32 = arith.constant 0 : i32
    %c0_i32_0 = arith.constant 0 : i32
    return %arg0, %c0_i32 : i32, i32
  }
  func.func @transform_6(%arg0: i32) -> (i32, i32) {
    %c0_i32 = arith.constant 0 : i32
    %c0_i32_0 = arith.constant 0 : i32
    %c0_i32_1 = arith.constant 0 : i32
    return %c0_i32, %c0_i32_0 : i32, i32
  }
}

</mosaic_0001>

<sc_bundles>
// kernel: kernel.4.cloned.1.call-start
scs
__scs_entry_jumppad:
0x0: {  	(pc) =	sbr.rel $0x88, $3  }
0x1: {  	(tag) =	ssettag $0x0;
	lr =	simm.s32 $0x1  }
0x2: {  	[smem:$0x3F9A] =	sst lr;
	_ =	strace $0xD0000000  }
0x3: {  	_ = 	snop  }
0x4: {  	_ = 	snop  }
0x5: {  	_ = 	snop  }
0x6: {  	_ = 	snop  }
0x7: {  	_ = 	snop  }
__scs_overlays_trampoline_lowered:
0x8: {  	[smem:$0x3FA9] =	sst s0  }
0x9: {  	[smem:$0x3FAA] =	sst s1  }
0xa: {  	[smem:$0x3FAB] =	sst s2  }
0xb: {  	[smem:$0x3FAC] =	sst s3  }
0xc: {  	[smem:$0x3FAD] =	sst s4  }
0xd: {  	[smem:$0x3FAE] =	sst s5  }
0xe: {  	[smem:$0x3FAF] =	sst s6  }
0xf: {  	[smem:$0x3FB0] =	sst s7  }
0x10: {  	[smem:$0x3FB1] =	sst s8  }
0x11: {  	[smem:$0x3FB2] =	sst s9;
	s0 =	simm.s32 @!p0 $0x0  }
0x12: {  	s1 =	sld [smem:$0x3F98];
	s0 =	simm.s32 @p0 $0x1  }
0x13: {  	[smem:$0x3FB3] =	sst s0;
	s0 =	simm.s32 @!p1 $0x0  }
0x14: {  	s2 =	sld [smem:$0x3F97];
	s0 =	simm.s32 @p1 $0x1  }
0x15: {  	[smem:$0x3FB4] =	sst s0;
	s0 =	simm.s32 @!p2 $0x0  }
0x16: {  	s3 =	sld [smem:$0x3FDB];
	s0 =	simm.s32 @p2 $0x1  }
0x17: {  	s4 =	simm.s32 $0x1BF5;
	[smem:$0x3FB6] =	sst s0  }
0x18: {  	s0 =	sld [smem:$0x3F99];
	_ =	swait.ge [sflag:s4], $0x0  }
0x19: {  	s7 =	sld [smem:$0x3F9A]  }
0x1a: {  	s8 =	sadd.s32 $0xFFFFE003, lr  }
0x1b: {  	s9 =	sadd.s32 $0xFFFFFEF7, lr;
	s5 =	simm.s32 $0xFFFFFFFF;
	p2 =	slt.u32 s8, $0xFFFFF086  }
0x1c: {  	p1 =	slt.u32 s9, $0xF7A;
	s5 =	simm.s32 @!p2 $0x0  }
0x1d: {  	s5 =	simm.s32 @p1 $0x1;
	p0 =	seq.s32 s7, s2  }
0x1e: {  	s7 =	smul.u32 @!p0 $0xF7A, s2;
	p2 =	seq.s32 @!p0 s5, $0x0  }
0x1f: {  	s9 =	smul.u32 $0xF7A, s1;
	s8 =	simm.s32 @!p0 $0x1BF5;
	p2 =	por !p2, p0  }
0x20: {  	[sflag:s8] =	ssyncset.s32 @!p0 $0xFFFFF086;
	s6 =	sadd.s32 @!p0 s3, s7;
	s7 =	simm.s32 @!p0 $0x108  }
0x21: {  	s3 =	sadd.s32 s3, s9;
	s6 =	sadd.s32 @!p0 $0x88, s6;
	s7 =	simm.s32 @p2 $0x1082  }
0x22: {  	[simem:s7], [sflag:s8] =	dma.local @!p0 [hbm:s6], $0xF7A  }
0x23: {  	s9 =	sor.u32 $0xD0000000, s2;
	s6 =	simm.s32 $0x108;
	_ =	swait.ge @!p0 [sflag:s8], $0x0  }
0x24: {  	s3 =	sadd.s32 $0x88, s3;
	s6 =	simm.s32 @!p1 $0x1082;
	[sflag:s4] =	ssyncset.s32 $0xFFFFF086  }
0x25: {  	[simem:s6], [sflag:s4] =	dma.local [hbm:s3], $0xF7A  }
0x26: {  	[smem:$0x3F9A] =	sst s1;
	(tag) =	ssettag s2;
	_ =	strace s9  }
0x27: {  	s1 =	sld [smem:$0x3FAA]  }
0x28: {  	s2 =	sld [smem:$0x3FAB]  }
0x29: {  	s4 =	sld [smem:$0x3FAD]  }
0x2a: {  	p0 =	seq.s32 s5, $0x0;
	s5 =	sld [smem:$0x3FAE]  }
0x2b: {  	s6 =	sld [smem:$0x3FAF]  }
0x2c: {  	s7 =	sld [smem:$0x3FB0]  }
0x2d: {  	s3 =	simm.s32 $0x108;
	s8 =	sld [smem:$0x3FB1]  }
0x2e: {  	s3 =	simm.s32 @!p0 $0x1082;
	s9 =	sld [smem:$0x3FB2]  }
0x2f: {  	lr =	sadd.s32 s0, s3;
	s0 =	sld [smem:$0x3FA9]  }
0x30: {  	s3 =	sld [smem:$0x3FAC]  }
0x31: {  	[smem:$0x3FB5] =	sst s10  }
0x32: {  	s10 =	sld [smem:$0x3FB3];
	_ =	sdelay $0x3  }
0x33: {  	p0 =	seq.s32 s10, $0x1;
	s10 =	sld [smem:$0x3FB5];
	_ =	sdelay $0x3  }
0x34: {  	[smem:$0x3FB5] =	sst s10  }
0x35: {  	s10 =	sld [smem:$0x3FB4];
	_ =	sdelay $0x3  }
0x36: {  	p1 =	seq.s32 s10, $0x1;
	s10 =	sld [smem:$0x3FB5];
	_ =	sdelay $0x3  }
0x37: {  	[smem:$0x3FB5] =	sst s10  }
0x38: {  	s10 =	sld [smem:$0x3FB6]  }
0x39: {  	_ = 	snop;
	(pc) =	sbr.ind lr, $3  }
0x3a: {  	_ = 	snop  }
0x3b: {  	_ = 	snop  }
0x3c: {  	p2 =	seq.s32 s10, $0x1;
	s10 =	sld [smem:$0x3FB5]  }
0x3d: {  	_ =	shalt  }
0x3e: {  	_ =	shalt  }
0x3f: {  	_ =	shalt  }
0x40: {  	_ =	shalt  }
0x41: {  	_ =	shalt  }
0x42: {  	_ =	shalt  }
0x43: {  	_ =	shalt  }
0x44: {  	_ =	shalt  }
0x45: {  	_ =	shalt  }
0x46: {  	_ =	shalt  }
0x47: {  	_ =	shalt  }
0x48: {  	_ =	shalt  }
0x49: {  	_ =	shalt  }
0x4a: {  	_ =	shalt  }
0x4b: {  	_ =	shalt  }
0x4c: {  	_ =	shalt  }
0x4d: {  	_ =	shalt  }
0x4e: {  	_ =	shalt  }
0x4f: {  	_ =	shalt  }
0x50: {  	_ =	shalt  }
0x51: {  	_ =	shalt  }
0x52: {  	_ =	shalt  }
0x53: {  	_ =	shalt  }
0x54: {  	_ =	shalt  }
0x55: {  	_ =	shalt  }
0x56: {  	_ =	shalt  }
0x57: {  	_ =	shalt  }
0x58: {  	_ =	shalt  }
0x59: {  	_ =	shalt  }
0x5a: {  	_ =	shalt  }
0x5b: {  	_ =	shalt  }
0x5c: {  	_ =	shalt  }
0x5d: {  	_ =	shalt  }
0x5e: {  	_ =	shalt  }
0x5f: {  	_ =	shalt  }
0x60: {  	_ =	shalt  }
0x61: {  	_ =	shalt  }
0x62: {  	_ =	shalt  }
0x63: {  	_ =	shalt  }
0x64: {  	_ =	shalt  }
0x65: {  	_ =	shalt  }
0x66: {  	_ =	shalt  }
0x67: {  	_ =	shalt  }
0x68: {  	_ =	shalt  }
0x69: {  	_ =	shalt  }
0x6a: {  	_ =	shalt  }
0x6b: {  	_ =	shalt  }
0x6c: {  	_ =	shalt  }
0x6d: {  	_ =	shalt  }
0x6e: {  	_ =	shalt  }
0x6f: {  	_ =	shalt  }
0x70: {  	_ =	shalt  }
0x71: {  	_ =	shalt  }
0x72: {  	_ =	shalt  }
0x73: {  	_ =	shalt  }
0x74: {  	_ =	shalt  }
0x75: {  	_ =	shalt  }
0x76: {  	_ =	shalt  }
0x77: {  	_ =	shalt  }
0x78: {  	_ =	shalt  }
0x79: {  	_ =	shalt  }
0x7a: {  	_ =	shalt  }
0x7b: {  	_ =	shalt  }
0x7c: {  	_ =	shalt  }
0x7d: {  	_ =	shalt  }
0x7e: {  	_ =	shalt  }
0x7f: {  	_ =	shalt  }
0x80: {  	_ =	shalt  }
0x81: {  	_ =	shalt  }
0x82: {  	_ =	shalt  }
0x83: {  	_ =	shalt  }
0x84: {  	_ =	shalt  }
0x85: {  	_ =	shalt  }
0x86: {  	_ =	shalt  }
0x87: {  	_ =	shalt  }
.Lfunc_end0:
.L_simem_size_0:
called_computation_lowered:
.L_overlay_start_0:
0x88: {  	s2 =	sld [smem:$0x3FD9]  }
0x89: {  	s3 =	sld [smem:$0x3FFE];
	_ =	sdelay $0x1  }
0x8a: {  	s1 =	srdreg.scid  }
0x8b: {  	s0 =	sand.u32 $0x1, s1  }
0x8c: {  	s14 =	sshll.u32 s0, $0xA;
	s2 =	sadd.s32 s3, s2  }
0x8d: {  	s2 =	sadd.s32 s2, s14  }
0x8e: {  	[smem:$0x3FC1] =	sst s2  }
0x8f: {  	_ = 	snop  }
0x90: {  	s2 =	sld [smem:$0x3FC9]  }
0x91: {  	s15 =	sld [smem:$0x3FD0]  }
0x92: {  	s4 =	sld [smem:$0x3FC7]  }
0x93: {  	s5 =	sld [smem:$0x3FC6]  }
0x94: {  	s7 =	simm.s32 $0xA;
	s8 =	simm.s32 $0x10;
	s6 =	sld [smem:$0x3FC5]  }
0x95: {  	[smem:s8], [sflag:s7] =	dma.local [hbm:s15], $0x1  }
0x96: {  	_ =	swait.eq [sflag:s7], $0x1  }
0x97: {  	s16 =	sld [smem:$0x10]  }
0x98: {  	s17 =	sld [smem:$0x11];
	[sflag:s7] =	ssyncset.done $0x0  }
0x99: {  	s9 =	sld [smem:$0x12];
	[sflag:s7] =	ssyncadd.s32 $0xFFFFFFFF  }
0x9a: {  	s18 =	sld [smem:$0x13];
	(tm) =	ssettm $0x1  }
0x9b: {  	s10 =	sld [smem:$0x3FFB];
	_ =	sdelay $0x3  }
0x9c: {  	_ =	strace s10  }
0x9d: {  	s10 =	sld [smem:$0x3FFC];
	_ =	sdelay $0x3  }
0x9e: {  	_ =	strace s10  }
0x9f: {  	s10 =	sld [smem:$0x3FFD];
	_ =	sdelay $0x3  }
0xa0: {  	_ =	strace s10  }
0xa1: {  	_ =	strace $0x8FFFFFFF  }
0xa2: {  	s19 =	sld [smem:$0x3FDB];
	_ =	sdelay $0x1  }
0xa3: {  	s11 =	simm.s32 $_scs_section_size  }
0xa4: {  	s12 =	simm.s32 $_size__tile_overlayer_lowered;
	s13 =	simm.s32 $_tile_overlayer_lowered  }
0xa5: {  	s22 =	simm.s32 $0x1BFF;
	s21 =	sshll.u32 s13, $0x1;
	s10 =	sadd.s32 s11, s19  }
0xa6: {  	s20 =	sshll.u32 s12, $0x1;
	s14 =	simm.s32 $0x0;
	s12 =	sadd.s32 s21, s10  }
0xa7: {  	[timem:s14], [sflag:s22] =	dma.local [hbm:s12], s20  }
0xa8: {  	_ =	swait.ge [sflag:s22], s20  }
0xa9: {  	s11 =	ssub.s32 $0x0, s20;
	[sflag:s22] =	ssyncset.done $0x0  }
0xaa: {  	[sflag:s22] =	ssyncadd.s32 s11;
	_ =	sdelay $0x1  }
0xab: {  	s23 =	simm.s32 $0x1B8B  }
0xac: {  	_ =	swait.ge [sflag:s23], $0x1  }
0xad: {  	[sflag:s23] =	ssyncset.done $0x0  }
0xae: {  	s25 =	simm.s32 $0x1B8E;
	s24 =	sld [smem:$0x3FFE];
	[sflag:s23] =	ssyncadd.s32 $0xFFFFFFFF  }
0xaf: {  	s26 =	simm.s32 $execute0_lowered;
	[smem:$0x3FD2] =	sst s25  }
0xb0: {  	s12 =	sshll.u32 s26, $0x1;
	_ =	strace $0x80000046;
	[dreg:$0x1] =	wrdreg $0xFFFFFFFF  }
0xb1: {  	s28 =	simm.s32 $_size_execute0_lowered;
	s10 =	sadd.s32 s10, s12;
	[dreg:$0x0] =	wrdreg $0x0  }
0xb2: {  	s12 =	sshll.u32 s28, $0x1;
	[dreg:$0x2] =	wrdreg s10  }
0xb3: {  	[dreg:$0x3] =	wrdreg s12  }
0xb4: {  	[dreg:$0x4] =	wrdreg $0xC0  }
0xb5: {  	_ =	task [dreg:s14], $0x5FFFF  }
0xb6: {  	[dreg:$0x1] =	wrdreg $0xFFFFFFFF  }
0xb7: {  	[dreg:$0x0] =	wrdreg $0x60  }
0xb8: {  	[dreg:$0x2] =	wrdreg s2  }
0xb9: {  	[dreg:$0x3] =	wrdreg s24  }
0xba: {  	[dreg:$0x4] =	wrdreg s4  }
0xbb: {  	[dreg:$0x5] =	wrdreg s5  }
0xbc: {  	[dreg:$0x6] =	wrdreg s6  }
0xbd: {  	[dreg:$0x7] =	wrdreg s16  }
0xbe: {  	[dreg:$0x8] =	wrdreg s17  }
0xbf: {  	[dreg:$0x9] =	wrdreg s9  }
0xc0: {  	[dreg:$0xa] =	wrdreg s18  }
0xc1: {  	[dreg:$0xb] =	wrdreg $0x9  }
0xc2: {  	_ =	task.clear_ibuf [dreg:s14], $0xCFFFF;
	_ =	strace $0x90000046  }
0xc3: {  	s29 =	simm.s32 $0x9;
	_ =	strace $0x80000048  }
0xc4: {  	_ =	swait.ge [sflag:s29], $0x1  }
0xc5: {  	[sflag:s29] =	ssyncadd.s32 $0xFFFFFFFF  }
0xc6: {  	_ =	strace $0x90000048  }
0xc7: {  	_ =	sfence  }
0xc8: {  	s30 =	sld [smem:$0x0];
	_ =	sdelay $0x2  }
0xc9: {  	s31 =	sshll.u32 s1, $0xD;
	s1 =	sshrl.u32 s1, $0x2  }
0xca: {  	s3 =	sand.u32 $0x4000, s31;
	s1 =	sadd.s32 s1, s30  }
0xcb: {  	s0 =	sor.u32 s3, s0;
	s1 =	sshll.u32 s1, $0x11  }
0xcc: {  	s0 =	sor.u32 s1, s0  }
0xcd: {  	s0 =	sadd.s32 $0x8F2B, s0  }
0xce: {  	[sflag:s0] =	ssyncadd.remote.s32 $0x1  }
0xcf: {  	_ =	sfence.sel $0xFFFF  }
0xd0: {  	[dreg:$0x0] =	wrdreg $0xFFFFFFFF;
	(pc) =	sbr.abs _section_cstart, $3  }
0xd1: {  	[dreg:$0x1] =	wrdreg $0xFFFFFFFF  }
0xd2: {  	_ =	task.clear_ibuf [dreg:s14], $0x2FFFF;
	_ =	strace $0x9FFFFFFF  }
0xd3: {  	(tm) =	ssettm $0x7FFFFFFF  }
tec
execute0_lowered:
.L_overlay_start_1:
0x0: {  	(tag) =	ssettag $0x1  }
0x1: {  	s0 =	rddreg [dreg:$0x0]  }
0x2: {  	s1 =	rddreg [dreg:$0x1]  }
0x3: {  	s3 =	rddreg [dreg:$0x2]  }
0x4: {  	s6 =	rddreg [dreg:$0x3]  }
0x5: {  	s7 =	rddreg [dreg:$0x4]  }
0x6: {  	s2 =	rddreg [dreg:$0x5]  }
0x7: {  	s8 =	rddreg [dreg:$0x6];
	s4 =	srdreg.scid  }
0x8: {  	s11 =	stileid.u32;
	s9 =	rddreg [dreg:$0x7]  }
0x9: {  	s12 =	rddreg [dreg:$0x8];
	s20 =	simm.s32 $0x1E300;
	s21 =	simm.s32 $0x1EB00  }
0xa: {  	s19 =	simm.s32 $0x300;
	s18 =	simm.s32 $0x14B00;
	s28 =	simm.s32 $0x17300  }
0xb: {  	s29 =	simm.s32 $0x17B00;
	s30 =	simm.s32 $0x5;
	s31 =	simm.s32 $0x1  }
0xc: {  	s5 =	sand.u32 $0x1, s4;
	s22 =	sshll.u32 s11, $0x1;
	s11 =	sshrl.u32 s11, $0x1  }
0xd: {  	s4 =	simm.s32 $0x0;
	s10 =	sor.u32 s5, s22;
	s14 =	sshll.u32 s11, $0x7  }
0xe: {  	[smem:$0x7FF] =	sst s4;
	s5 =	ssub.s32 $0x2, s5;
	s25 =	sshll.u32 s11, $0x4  }
0xf: {  	s17 =	sshll.u32 s11, $0xB;
	s11 =	sadd.s32 $0x200, s0;
	s22 =	simm.s32 $0x1F300  }
0x10: {  	s13 =	sand.u32 $0x3, s10;
	_ =	strace $0x80000047;
	s16 =	sshrl.u32 s5, $0x1  }
0x11: {  	s3 =	sadd.s32 s3, s25;
	s15 =	sshll.u32 s13, $0xC;
	s23 =	ssub.s32 s5, s16  }
0x12: {  	s5 =	sshll.u32 s10, $0x7;
	s26 =	sshll.u32 s13, $0xA;
	[dreg:$0xb] =	wrdreg s3  }
0x13: {  	s13 =	sadd.s32 s6, s25;
	s10 =	sadd.s32 $0x100, s0;
	s6 =	simm.s32 $0x1B300  }
0x14: {  	s15 =	sor.u32 s14, s15;
	[dreg:$0xc] =	wrdreg s13;
	s16 =	sor.u32 s14, s26  }
0x15: {  	s26 =	smax.u32 s23, $0x1;
	s15 =	sshrl.u32 s15, $0x3;
	s3 =	sshrl.u32 s16, $0x3  }
0x16: {  	[dreg:$0x11] =	wrdreg s26;
	s1 =	sadd.s32 s15, s1;
	s24 =	sadd.s32 s8, s3  }
0x17: {  	s23 =	simm.s32 $0x15300;
	s1 =	sadd.s32 $0x1400, s1;
	[dreg:$0xe] =	wrdreg s24  }
.Ltmp0:
0x18: {  	[dreg:$0xa] =	wrdreg s1;
	s1 =	sadd.s32 s7, s25;
	(pc) =	sbr.rel .LBB2_1-.Ltmp0, $4  }
0x19: {  	s16 =	sadd.s32 $0x600, s2;
	s25 =	sadd.s32 s9, s3;
	[dreg:$0xd] =	wrdreg s1  }
0x1a: {  	v4 =	vlaneseq.u32;
	vm0 =	vmmov $0xffff;
	v5 =	vimm.s32 $0x0;
	s26 =	simm.s32 $0x16B00;
	s3 =	sadd.s32 s12, s3;
	[dreg:$0xf] =	wrdreg s25  }
0x1b: {  	v2 =	vshrl.u32 v4, $0x3;
	v1 =	vand.u32 $0x7, v4;
	v3 =	vor.u32 $0x8, v4;
	s8 =	simm.s32 $0x0;
	s24 =	simm.s32 $0x15B00;
	[dreg:$0x10] =	wrdreg s3  }
0x1c: {  	v4 =	vmul.u32 $0x4, v4;
	v2 =	vmul.u32 $0x8, v2;
	v0 =	vmov s17;
	s25 =	simm.s32 $0x16300;
	s3 =	simm.s32 $0x18300;
	s1 =	simm.s32 $0x2  }
.LBB2_13:
0x1d: {  	s7 =	simm.s32 $0x3  }
0x1e: {  	_ =	swait.ge [sflag:s7], $0x3000  }
0x1f: {  	[sflag:s7] =	ssyncset.done $0x0  }
0x20: {  	s15 =	simm.s32 $0x4;
	[sflag:s7] =	ssyncadd.s32 $0xFFFFD000  }
0x21: {  	_ =	swait.ge [sflag:s15], $0x3000  }
0x22: {  	[sflag:s15] =	ssyncset.done $0x0  }
0x23: {  	[sflag:s15] =	ssyncadd.s32 $0xFFFFD000  }
0x24: {  	_ =	swait.ge [sflag:s30], $0x80  }
0x25: {  	[sflag:s30] =	ssyncset.done $0x0  }
0x26: {  	[sflag:s30] =	ssyncadd.s32 $0xFFFFFF80  }
0x27: {  	_ =	swait.ge [sflag:s30], $0x80  }
0x28: {  	[sflag:s30] =	ssyncset.done $0x0  }
0x29: {  	[sflag:s30] =	ssyncadd.s32 $0xFFFFFF80  }
0x2a: {  	_ =	swait.ge [sflag:s30], $0x80  }
0x2b: {  	s8 =	rddreg [dreg:$0x12]  }
0x2c: {  	s17 =	rddreg [dreg:$0x11];
	s8 =	sadd.s32 $0x1, s8  }
0x2d: {  	p0 =	sne.s32 s8, s17  }
.Ltmp1:
0x2e: {  	_ = 	snop;
	(pc) =	sbr.rel @!p0 .LBB2_14-.Ltmp1, $3  }
0x2f: {  	_ =	sdelay $0x1  }
0x30: {  	[sflag:s30] =	ssyncset.done $0x0  }
0x31: {  	[sflag:s30] =	ssyncadd.s32 $0xFFFFFF80  }
.LBB2_1:
0x32: {  	[dreg:$0x12] =	wrdreg s8  }
0x33: {  	s7 =	rddreg [dreg:$0xa]  }
0x34: {  	s12 =	simm.s32 $0x80;
	s9 =	simm.s32 $0x400;
	s13 =	simm.s32 $0x6  }
0x35: {  	[tilespmem:s4], [sflag:$0x6] =	stream.strided.gather [hbm4b:s7+s12], $0x200, s9, s12, $0x38;
	[tilespmem:$0x1FC80] =	vst v63  }
0x36: {  	_ =	swait.ge [sflag:s13], $0x200  }
0x37: {  	[sflag:s13] =	ssyncset.done $0x0  }
0x38: {  	s14 =	rddreg [dreg:$0xb];
	[sflag:s13] =	ssyncadd.s32 $0xFFFFFE00  }
0x39: {  	[tilespmem:s20], [sflag:$0x5] =	stream.strided.gather [hbm4b:s14+s12], $0x800, s9, s12, $0x38;
	[tilespmem:$0x1FC80] =	vst v63  }
0x3a: {  	s15 =	rddreg [dreg:$0xc]  }
0x3b: {  	[tilespmem:s21], [sflag:$0x5] =	stream.strided.gather [hbm4b:s15+s12], $0x800, s9, s12, $0x38;
	[tilespmem:$0x1FC80] =	vst v63  }
0x3c: {  	s17 =	rddreg [dreg:$0xd]  }
0x3d: {  	[tilespmem:s22], [sflag:$0x5] =	stream.strided.gather [hbm4b:s17+s12], $0x800, s9, s12, $0x38;
	[tilespmem:$0x1FC80] =	vst v63  }
0x3e: {  	v6 =	vld [tilespmem:$0x0];
	_ =	sdelay $0x4  }
0x3f: {  	v7 =	vadd.s32 v0, v6  }
0x40: {  	v8 =	vshrl.u32 v7, $0x3  }
0x41: {  	v8 =	vmul.u32 $0x30, v8  }
0x42: {  	v9 =	vld [tilespmem:$0x10];
	v6 =	vand.u32 $0x7, v6  }
0x43: {  	v10 =	vld [tilespmem:$0x20];
	v6 =	vor.u32 v6, v8  }
0x44: {  	v8 =	vld [tilespmem:$0x30];
	v11 =	vperm.xlane v6, v1;
	_ =	sdelay $0x1  }
0x45: {  	v11 =	vadd.s32 v2, v11  }
0x46: {  	[tilespmem:$0x200] =	vst v7;
	v7 =	vadd.s32 v0, v9  }
0x47: {  	[tilespmem:$0x210] =	vst v7;
	v7 =	vadd.s32 v0, v10  }
0x48: {  	[tilespmem:$0x220] =	vst v7;
	v7 =	vadd.s32 v0, v8  }
0x49: {  	v6 =	vperm.xlane v6, v3;
	[tilespmem:$0x230] =	vst v7  }
0x4a: {  	[tilespmem:s19], [sflag:$0x1] =	stream.indirect_vreg.gather [hbm4b:s0+s4], $0x80, v11, vm0, $0xb8;
	[tilespmem:$0x1FC80] =	vst v63  }
0x4b: {  	s8 =	simm.s32 $0xB00;
	v6 =	vadd.s32 v2, v6  }
0x4c: {  	[tilespmem:s8], [sflag:$0x1] =	stream.indirect_vreg.gather [hbm4b:s10+s4], $0x80, v11, vm0, $0xb8;
	[tilespmem:$0x1FC80] =	vst v63  }
0x4d: {  	s9 =	simm.s32 $0x1300  }
0x4e: {  	[tilespmem:s9], [sflag:$0x1] =	stream.indirect_vreg.gather [hbm4b:s11+s4], $0x80, v11, vm0, $0xb8;
	[tilespmem:$0x1FC80] =	vst v63  }
0x4f: {  	s12 =	simm.s32 $0x1B00  }
0x50: {  	[tilespmem:s12], [sflag:$0x1] =	stream.indirect_vreg.gather [hbm4b:s0+s4], $0x80, v6, vm0, $0xb8;
	[tilespmem:$0x1FC80] =	vst v63  }
0x51: {  	s13 =	simm.s32 $0x2300  }
0x52: {  	[tilespmem:s13], [sflag:$0x1] =	stream.indirect_vreg.gather [hbm4b:s10+s4], $0x80, v6, vm0, $0xb8;
	[tilespmem:$0x1FC80] =	vst v63  }
0x53: {  	s14 =	simm.s32 $0x2B00  }
0x54: {  	[tilespmem:s14], [sflag:$0x1] =	stream.indirect_vreg.gather [hbm4b:s11+s4], $0x80, v6, vm0, $0xb8;
	[tilespmem:$0x1FC80] =	vst v63  }
0x55: {  	v6 =	vld [tilespmem:$0x210];
	_ =	sdelay $0x4  }
0x56: {  	v7 =	vshrl.u32 v6, $0x3  }
0x57: {  	v7 =	vmul.u32 $0x30, v7  }
0x58: {  	v6 =	vand.u32 $0x7, v6  }
0x59: {  	v6 =	vor.u32 v6, v7  }
0x5a: {  	v7 =	vperm.xlane v6, v1;
	_ =	sdelay $0x1  }
0x5b: {  	v7 =	vadd.s32 v2, v7;
	_ =	sdelay $0x3  }
0x5c: {  	s15 =	simm.s32 $0x3300;
	v6 =	vperm.xlane v6, v3  }
0x5d: {  	[tilespmem:s15], [sflag:$0x1] =	stream.indirect_vreg.gather [hbm4b:s0+s4], $0x80, v7, vm0, $0xb8;
	[tilespmem:$0x1FC80] =	vst v63  }
0x5e: {  	s17 =	simm.s32 $0x3B00;
	v6 =	vadd.s32 v2, v6  }
0x5f: {  	[tilespmem:s17], [sflag:$0x1] =	stream.indirect_vreg.gather [hbm4b:s10+s4], $0x80, v7, vm0, $0xb8;
	[tilespmem:$0x1FC80] =	vst v63  }
0x60: {  	s19 =	simm.s32 $0x4300  }
0x61: {  	[tilespmem:s19], [sflag:$0x1] =	stream.indirect_vreg.gather [hbm4b:s11+s4], $0x80, v7, vm0, $0xb8;
	[tilespmem:$0x1FC80] =	vst v63  }
0x62: {  	s8 =	simm.s32 $0x4B00  }
0x63: {  	[tilespmem:s8], [sflag:$0x1] =	stream.indirect_vreg.gather [hbm4b:s0+s4], $0x80, v6, vm0, $0xb8;
	[tilespmem:$0x1FC80] =	vst v63  }
0x64: {  	s9 =	simm.s32 $0x5300  }
0x65: {  	[tilespmem:s9], [sflag:$0x1] =	stream.indirect_vreg.gather [hbm4b:s10+s4], $0x80, v6, vm0, $0xb8;
	[tilespmem:$0x1FC80] =	vst v63  }
0x66: {  	s12 =	simm.s32 $0x5B00  }
0x67: {  	[tilespmem:s12], [sflag:$0x1] =	stream.indirect_vreg.gather [hbm4b:s11+s4], $0x80, v6, vm0, $0xb8;
	[tilespmem:$0x1FC80] =	vst v63  }
0x68: {  	v6 =	vld [tilespmem:$0x220];
	_ =	sdelay $0x4  }
0x69: {  	v7 =	vshrl.u32 v6, $0x3  }
0x6a: {  	v7 =	vmul.u32 $0x30, v7  }
0x6b: {  	v6 =	vand.u32 $0x7, v6  }
0x6c: {  	v6 =	vor.u32 v6, v7  }
0x6d: {  	v7 =	vperm.xlane v6, v1;
	_ =	sdelay $0x1  }
0x6e: {  	v7 =	vadd.s32 v2, v7;
	_ =	sdelay $0x3  }
0x6f: {  	s13 =	simm.s32 $0x6300;
	v6 =	vperm.xlane v6, v3  }
0x70: {  	[tilespmem:s13], [sflag:$0x1] =	stream.indirect_vreg.gather [hbm4b:s0+s4], $0x80, v7, vm0, $0xb8;
	[tilespmem:$0x1FC80] =	vst v63  }
0x71: {  	s14 =	simm.s32 $0x6B00;
	v6 =	vadd.s32 v2, v6  }
0x72: {  	[tilespmem:s14], [sflag:$0x1] =	stream.indirect_vreg.gather [hbm4b:s10+s4], $0x80, v7, vm0, $0xb8;
	[tilespmem:$0x1FC80] =	vst v63  }
0x73: {  	s15 =	simm.s32 $0x7300  }
0x74: {  	[tilespmem:s15], [sflag:$0x1] =	stream.indirect_vreg.gather [hbm4b:s11+s4], $0x80, v7, vm0, $0xb8;
	[tilespmem:$0x1FC80] =	vst v63  }
0x75: {  	s17 =	simm.s32 $0x7B00  }
0x76: {  	[tilespmem:s17], [sflag:$0x1] =	stream.indirect_vreg.gather [hbm4b:s0+s4], $0x80, v6, vm0, $0xb8;
	[tilespmem:$0x1FC80] =	vst v63  }
0x77: {  	s19 =	simm.s32 $0x8300  }
0x78: {  	[tilespmem:s19], [sflag:$0x1] =	stream.indirect_vreg.gather [hbm4b:s10+s4], $0x80, v6, vm0, $0xb8;
	[tilespmem:$0x1FC80] =	vst v63  }
0x79: {  	s8 =	simm.s32 $0x8B00  }
0x7a: {  	[tilespmem:s8], [sflag:$0x1] =	stream.indirect_vreg.gather [hbm4b:s11+s4], $0x80, v6, vm0, $0xb8;
	[tilespmem:$0x1FC80] =	vst v63  }
0x7b: {  	v6 =	vld [tilespmem:$0x230];
	_ =	sdelay $0x4  }
0x7c: {  	v7 =	vshrl.u32 v6, $0x3  }
0x7d: {  	v7 =	vmul.u32 $0x30, v7  }
0x7e: {  	v6 =	vand.u32 $0x7, v6  }
0x7f: {  	v6 =	vor.u32 v6, v7  }
0x80: {  	v7 =	vperm.xlane v6, v1;
	_ =	sdelay $0x1  }
0x81: {  	v7 =	vadd.s32 v2, v7;
	_ =	sdelay $0x3  }
0x82: {  	s9 =	simm.s32 $0x9300;
	v6 =	vperm.xlane v6, v3  }
0x83: {  	[tilespmem:s9], [sflag:$0x1] =	stream.indirect_vreg.gather [hbm4b:s0+s4], $0x80, v7, vm0, $0xb8;
	[tilespmem:$0x1FC80] =	vst v63  }
0x84: {  	s12 =	simm.s32 $0x9B00;
	v6 =	vadd.s32 v2, v6  }
0x85: {  	[tilespmem:s12], [sflag:$0x1] =	stream.indirect_vreg.gather [hbm4b:s10+s4], $0x80, v7, vm0, $0xb8;
	[tilespmem:$0x1FC80] =	vst v63  }
0x86: {  	s13 =	simm.s32 $0xA300  }
0x87: {  	[tilespmem:s13], [sflag:$0x1] =	stream.indirect_vreg.gather [hbm4b:s11+s4], $0x80, v7, vm0, $0xb8;
	[tilespmem:$0x1FC80] =	vst v63  }
0x88: {  	s14 =	simm.s32 $0xAB00  }
0x89: {  	[tilespmem:s14], [sflag:$0x1] =	stream.indirect_vreg.gather [hbm4b:s0+s4], $0x80, v6, vm0, $0xb8;
	[tilespmem:$0x1FC80] =	vst v63  }
0x8a: {  	s15 =	simm.s32 $0xB300  }
0x8b: {  	[tilespmem:s15], [sflag:$0x1] =	stream.indirect_vreg.gather [hbm4b:s10+s4], $0x80, v6, vm0, $0xb8;
	[tilespmem:$0x1FC80] =	vst v63  }
0x8c: {  	s17 =	simm.s32 $0xBB00  }
0x8d: {  	[tilespmem:s17], [sflag:$0x1] =	stream.indirect_vreg.gather [hbm4b:s11+s4], $0x80, v6, vm0, $0xb8;
	[tilespmem:$0x1FC80] =	vst v63  }
0x8e: {  	v6 =	vld [tilespmem:$0x40];
	_ =	sdelay $0x4  }
0x8f: {  	v7 =	vadd.s32 v0, v6  }
0x90: {  	v8 =	vshrl.u32 v7, $0x3  }
0x91: {  	v8 =	vmul.u32 $0x30, v8  }
0x92: {  	v9 =	vld [tilespmem:$0x50];
	v6 =	vand.u32 $0x7, v6  }
0x93: {  	v10 =	vld [tilespmem:$0x60];
	v6 =	vor.u32 v6, v8  }
0x94: {  	v8 =	vld [tilespmem:$0x70];
	v11 =	vperm.xlane v6, v1;
	_ =	sdelay $0x1  }
0x95: {  	v11 =	vadd.s32 v2, v11  }
0x96: {  	[tilespmem:$0x280] =	vst v7;
	v7 =	vadd.s32 v0, v9  }
0x97: {  	[tilespmem:$0x290] =	vst v7;
	v7 =	vadd.s32 v0, v10  }
0x98: {  	[tilespmem:$0x2A0] =	vst v7;
	v7 =	vadd.s32 v0, v8  }
0x99: {  	s19 =	simm.s32 $0xC300;
	v6 =	vperm.xlane v6, v3;
	[tilespmem:$0x2B0] =	vst v7  }
0x9a: {  	[tilespmem:s19], [sflag:$0x2] =	stream.indirect_vreg.gather [hbm4b:s0+s4], $0x80, v11, vm0, $0xb8;
	[tilespmem:$0x1FC80] =	vst v63  }
0x9b: {  	s8 =	simm.s32 $0xCB00;
	v6 =	vadd.s32 v2, v6  }
0x9c: {  	[tilespmem:s8], [sflag:$0x2] =	stream.indirect_vreg.gather [hbm4b:s10+s4], $0x80, v11, vm0, $0xb8;
	[tilespmem:$0x1FC80] =	vst v63  }
0x9d: {  	s9 =	simm.s32 $0xD300  }
0x9e: {  	[tilespmem:s9], [sflag:$0x2] =	stream.indirect_vreg.gather [hbm4b:s11+s4], $0x80, v11, vm0, $0xb8;
	[tilespmem:$0x1FC80] =	vst v63  }
0x9f: {  	s12 =	simm.s32 $0xDB00  }
0xa0: {  	[tilespmem:s12], [sflag:$0x2] =	stream.indirect_vreg.gather [hbm4b:s0+s4], $0x80, v6, vm0, $0xb8;
	[tilespmem:$0x1FC80] =	vst v63  }
0xa1: {  	s13 =	simm.s32 $0xE300  }
0xa2: {  	[tilespmem:s13], [sflag:$0x2] =	stream.indirect_vreg.gather [hbm4b:s10+s4], $0x80, v6, vm0, $0xb8;
	[tilespmem:$0x1FC80] =	vst v63  }
0xa3: {  	s14 =	simm.s32 $0xEB00  }
0xa4: {  	[tilespmem:s14], [sflag:$0x2] =	stream.indirect_vreg.gather [hbm4b:s11+s4], $0x80, v6, vm0, $0xb8;
	[tilespmem:$0x1FC80] =	vst v63  }
0xa5: {  	v6 =	vld [tilespmem:$0x290];
	_ =	sdelay $0x4  }
0xa6: {  	v7 =	vshrl.u32 v6, $0x3  }
0xa7: {  	v7 =	vmul.u32 $0x30, v7  }
0xa8: {  	v6 =	vand.u32 $0x7, v6  }
0xa9: {  	v6 =	vor.u32 v6, v7  }
0xaa: {  	v7 =	vperm.xlane v6, v1;
	_ =	sdelay $0x1  }
0xab: {  	v7 =	vadd.s32 v2, v7;
	_ =	sdelay $0x3  }
0xac: {  	s15 =	simm.s32 $0xF300;
	v6 =	vperm.xlane v6, v3  }
0xad: {  	[tilespmem:s15], [sflag:$0x2] =	stream.indirect_vreg.gather [hbm4b:s0+s4], $0x80, v7, vm0, $0xb8;
	[tilespmem:$0x1FC80] =	vst v63  }
0xae: {  	s17 =	simm.s32 $0xFB00;
	v6 =	vadd.s32 v2, v6  }
0xaf: {  	[tilespmem:s17], [sflag:$0x2] =	stream.indirect_vreg.gather [hbm4b:s10+s4], $0x80, v7, vm0, $0xb8;
	[tilespmem:$0x1FC80] =	vst v63  }
0xb0: {  	s19 =	simm.s32 $0x10300  }
0xb1: {  	[tilespmem:s19], [sflag:$0x2] =	stream.indirect_vreg.gather [hbm4b:s11+s4], $0x80, v7, vm0, $0xb8;
	[tilespmem:$0x1FC80] =	vst v63  }
0xb2: {  	s8 =	simm.s32 $0x10B00  }
0xb3: {  	[tilespmem:s8], [sflag:$0x2] =	stream.indirect_vreg.gather [hbm4b:s0+s4], $0x80, v6, vm0, $0xb8;
	[tilespmem:$0x1FC80] =	vst v63  }
0xb4: {  	s9 =	simm.s32 $0x11300  }
0xb5: {  	[tilespmem:s9], [sflag:$0x2] =	stream.indirect_vreg.gather [hbm4b:s10+s4], $0x80, v6, vm0, $0xb8;
	[tilespmem:$0x1FC80] =	vst v63  }
0xb6: {  	s12 =	simm.s32 $0x11B00  }
0xb7: {  	[tilespmem:s12], [sflag:$0x2] =	stream.indirect_vreg.gather [hbm4b:s11+s4], $0x80, v6, vm0, $0xb8;
	[tilespmem:$0x1FC80] =	vst v63  }
0xb8: {  	v6 =	vld [tilespmem:$0x2A0];
	_ =	sdelay $0x4  }
0xb9: {  	v7 =	vshrl.u32 v6, $0x3  }
0xba: {  	v7 =	vmul.u32 $0x30, v7  }
0xbb: {  	v6 =	vand.u32 $0x7, v6  }
0xbc: {  	v6 =	vor.u32 v6, v7  }
0xbd: {  	v7 =	vperm.xlane v6, v1;
	_ =	sdelay $0x1  }
0xbe: {  	v7 =	vadd.s32 v2, v7;
	_ =	sdelay $0x3  }
0xbf: {  	s13 =	simm.s32 $0x12300;
	v6 =	vperm.xlane v6, v3  }
0xc0: {  	[tilespmem:s13], [sflag:$0x2] =	stream.indirect_vreg.gather [hbm4b:s0+s4], $0x80, v7, vm0, $0xb8;
	[tilespmem:$0x1FC80] =	vst v63  }
0xc1: {  	s14 =	simm.s32 $0x12B00;
	v6 =	vadd.s32 v2, v6  }
0xc2: {  	[tilespmem:s14], [sflag:$0x2] =	stream.indirect_vreg.gather [hbm4b:s10+s4], $0x80, v7, vm0, $0xb8;
	[tilespmem:$0x1FC80] =	vst v63  }
0xc3: {  	s15 =	simm.s32 $0x13300  }
0xc4: {  	[tilespmem:s15], [sflag:$0x2] =	stream.indirect_vreg.gather [hbm4b:s11+s4], $0x80, v7, vm0, $0xb8;
	[tilespmem:$0x1FC80] =	vst v63  }
0xc5: {  	s17 =	simm.s32 $0x13B00  }
0xc6: {  	[tilespmem:s17], [sflag:$0x2] =	stream.indirect_vreg.gather [hbm4b:s0+s4], $0x80, v6, vm0, $0xb8;
	[tilespmem:$0x1FC80] =	vst v63  }
0xc7: {  	s19 =	simm.s32 $0x14300  }
0xc8: {  	[tilespmem:s19], [sflag:$0x2] =	stream.indirect_vreg.gather [hbm4b:s10+s4], $0x80, v6, vm0, $0xb8;
	[tilespmem:$0x1FC80] =	vst v63  }
0xc9: {  	_ = 	snop  }
0xca: {  	[tilespmem:s18], [sflag:$0x2] =	stream.indirect_vreg.gather [hbm4b:s11+s4], $0x80, v6, vm0, $0xb8;
	[tilespmem:$0x1FC80] =	vst v63  }
0xcb: {  	v6 =	vld [tilespmem:$0x2B0];
	_ =	sdelay $0x4  }
0xcc: {  	v7 =	vshrl.u32 v6, $0x3  }
0xcd: {  	v7 =	vmul.u32 $0x30, v7  }
0xce: {  	v6 =	vand.u32 $0x7, v6  }
0xcf: {  	v6 =	vor.u32 v6, v7  }
0xd0: {  	v7 =	vperm.xlane v6, v1;
	_ =	sdelay $0x1  }
0xd1: {  	v7 =	vadd.s32 v2, v7;
	_ =	sdelay $0x3  }
0xd2: {  	v6 =	vperm.xlane v6, v3  }
0xd3: {  	[tilespmem:s23], [sflag:$0x2] =	stream.indirect_vreg.gather [hbm4b:s0+s4], $0x80, v7, vm0, $0xb8;
	[tilespmem:$0x1FC80] =	vst v63  }
0xd4: {  	v6 =	vadd.s32 v2, v6  }
0xd5: {  	[tilespmem:s24], [sflag:$0x2] =	stream.indirect_vreg.gather [hbm4b:s10+s4], $0x80, v7, vm0, $0xb8;
	[tilespmem:$0x1FC80] =	vst v63  }
0xd6: {  	_ = 	snop  }
0xd7: {  	[tilespmem:s25], [sflag:$0x2] =	stream.indirect_vreg.gather [hbm4b:s11+s4], $0x80, v7, vm0, $0xb8;
	[tilespmem:$0x1FC80] =	vst v63  }
0xd8: {  	_ = 	snop  }
0xd9: {  	[tilespmem:s26], [sflag:$0x2] =	stream.indirect_vreg.gather [hbm4b:s0+s4], $0x80, v6, vm0, $0xb8;
	[tilespmem:$0x1FC80] =	vst v63  }
0xda: {  	_ = 	snop  }
0xdb: {  	[tilespmem:s28], [sflag:$0x2] =	stream.indirect_vreg.gather [hbm4b:s10+s4], $0x80, v6, vm0, $0xb8;
	[tilespmem:$0x1FC80] =	vst v63  }
0xdc: {  	_ = 	snop  }
0xdd: {  	[tilespmem:s29], [sflag:$0x2] =	stream.indirect_vreg.gather [hbm4b:s11+s4], $0x80, v6, vm0, $0xb8;
	[tilespmem:$0x1FC80] =	vst v63  }
0xde: {  	_ =	swait.ge [sflag:s30], $0x800  }
0xdf: {  	v6 =	vmov s4;
	[sflag:s30] =	ssyncset.done $0x0  }
0xe0: {  	v6 =	vshll.u32 v6, $0x2;
	[sflag:s30] =	ssyncadd.s32 $0xFFFFF800  }
0xe1: {  	v6 =	vor.u32 v4, v6;
	_ =	swait.ge [sflag:s30], $0x800  }
0xe2: {  	v7 =	vor.u32 $0x1, v6;
	[sflag:s30] =	ssyncset.done $0x0  }
0xe3: {  	[sflag:s30] =	ssyncadd.s32 $0xFFFFF800  }
0xe4: {  	_ =	swait.ge [sflag:s30], $0x800  }
0xe5: {  	[sflag:s30] =	ssyncset.done $0x0  }
0xe6: {  	v8 =	vor.u32 $0x2, v6;
	[sflag:s30] =	ssyncadd.s32 $0xFFFFF800  }
0xe7: {  	v10 =	vld.idx.msk [tilespmem:v7+s4+$0x0], $0xffff;
	_ =	sdelay $0x1  }
0xe8: {  	v7 =	vor.u32 $0x3, v6;
	v11 =	vld.idx.msk [tilespmem:v6+s4+$0x0], $0xffff;
	_ =	sdelay $0x1  }
0xe9: {  	v12 =	vld.idx.msk [tilespmem:v8+s4+$0x0], $0xffff;
	_ =	sdelay $0x2  }
0xea: {  	v15 =	vld.idx.msk [tilespmem:v7+s4+$0x0], $0xffff  }
0xeb: {  	v14 =	vld.idx.msk [tilespmem:v10+s22+$0x0], $0xffff  }
0xec: {  	v7 =	vld.idx.msk [tilespmem:v10+s21+$0x0], $0xffff  }
0xed: {  	v16 =	vld.idx.msk [tilespmem:v11+s22+$0x0], $0xffff  }
0xee: {  	v9 =	vld.idx.msk [tilespmem:v11+s21+$0x0], $0xffff  }
0xef: {  	v6 =	vld.idx.msk [tilespmem:v12+s21+$0x0], $0xffff  }
0xf0: {  	v17 =	vld.idx.msk [tilespmem:v10+s20+$0x0], $0xffff  }
0xf1: {  	v18 =	vld.idx.msk [tilespmem:v11+s20+$0x0], $0xffff  }
0xf2: {  	v8 =	vld.idx.msk [tilespmem:v12+s20+$0x0], $0xffff  }
0xf3: {  	v13 =	vld.idx.msk [tilespmem:v12+s22+$0x0], $0xffff  }
0xf4: {  	s7 =	simm.s32 $0x1FC10;
	s8 =	simm.s32 $0x1FB80;
	v10 =	vld.idx.msk [tilespmem:v15+s22+$0x0], $0xffff  }
0xf5: {  	s9 =	simm.s32 $0x1FB00;
	s12 =	simm.s32 $0x10;
	s13 =	simm.s32 $0x1FB80;
	v11 =	vld.idx.msk [tilespmem:v15+s20+$0x0], $0xffff  }
0xf6: {  	s14 =	simm.s32 $0x1FB00;
	s15 =	simm.s32 $0x20;
	v14 =	vmul.u32 v16, v14;
	v12 =	vld.idx.msk [tilespmem:v15+s21+$0x0], $0xffff;
	v16 =	vmov s12;
	v15 =	vadd.s32 v18, v17;
	s12 =	simm.s32 $0x1FC00  }
.LBB2_2:
0xf7: {  	s9 =	sadd.s32 $0x10, s9  }
0xf8: {  	v16 =	vshll.u32 v16, $0x2;
	v7 =	vadd.s32 v9, v7;
	s8 =	sadd.s32 $0x10, s8;
	s19 =	smov.u32 s15;
	s17 =	sadd.s32 $0x10, s15  }
0xf9: {  	p0 =	sne.s32 s15, $0x70;
	v9 =	vor.u32 v4, v16;
	v6 =	vadd.s32 v6, v7;
	v7 =	vmul.u32 v13, v14  }
0xfa: {  	v13 =	vor.u32 $0x1, v9;
	v14 =	vor.u32 $0x2, v9  }
0xfb: {  	v8 =	vadd.s32 v8, v15;
	v7 =	vmul.u32 v10, v7;
	v10 =	vsub.s32 $0x0, v11  }
0xfc: {  	vm1 =	vne.s32 v8, v10;
	v8 =	vsub.s32 $0x0, v12  }
0xfd: {  	v10 =	vsel vm1, $0x1, v5;
	vm2 =	vne.s32 v6, v8;
	vm3 =	vne.s32 v7, $0x0  }
0xfe: {  	v6 =	vor.u32 $0x3, v9;
	v7 =	vsel vm2, $0x1, v5;
	v8 =	vsel vm3, $0x1, v5;
	[tilespmem:s14+$0x0] =	vst v10;
	s14 =	smov.u32 s9  }
0xff: {  	v8 =	vnsel vm1, $0xFFFFFFFF, v8;
	[tilespmem:s13+$0x0] =	vst v7;
	s13 =	smov.u32 s8  }
0x100: {  	[tilespmem:s12+$0x0] =	vst v8;
	s12 =	smov.u32 s7  }
0x101: {  	v8 =	vld.idx.msk [tilespmem:v13+s4+$0x0], $0xffff  }
0x102: {  	v10 =	vld.idx.msk [tilespmem:v9+s4+$0x0], $0xffff  }
0x103: {  	v12 =	vld.idx.msk [tilespmem:v6+s4+$0x0], $0xffff;
	_ =	sdelay $0x1  }
0x104: {  	v11 =	vld.idx.msk [tilespmem:v14+s4+$0x0], $0xffff;
	_ =	sdelay $0x3  }
0x105: {  	v13 =	vld.idx.msk [tilespmem:v8+s22+$0x0], $0xffff  }
0x106: {  	v7 =	vld.idx.msk [tilespmem:v8+s21+$0x0], $0xffff  }
0x107: {  	v14 =	vld.idx.msk [tilespmem:v10+s22+$0x0], $0xffff  }
0x108: {  	v9 =	vld.idx.msk [tilespmem:v10+s21+$0x0], $0xffff  }
0x109: {  	v6 =	vld.idx.msk [tilespmem:v11+s21+$0x0], $0xffff  }
0x10a: {  	v15 =	vld.idx.msk [tilespmem:v8+s20+$0x0], $0xffff  }
0x10b: {  	v17 =	vld.idx.msk [tilespmem:v10+s20+$0x0], $0xffff  }
0x10c: {  	v8 =	vld.idx.msk [tilespmem:v11+s20+$0x0], $0xffff  }
.Ltmp2:
0x10d: {  	v14 =	vmul.u32 v14, v13;
	v13 =	vld.idx.msk [tilespmem:v11+s22+$0x0], $0xffff;
	(pc) =	sbr.rel @p0 .LBB2_2-.Ltmp2, $4  }
0x10e: {  	v10 =	vld.idx.msk [tilespmem:v12+s22+$0x0], $0xffff  }
0x10f: {  	v11 =	vld.idx.msk [tilespmem:v12+s20+$0x0], $0xffff  }
0x110: {  	v12 =	vld.idx.msk [tilespmem:v12+s21+$0x0], $0xffff  }
0x111: {  	v16 =	vmov s19;
	s15 =	smov.u32 s17;
	s7 =	sadd.s32 $0x10, s7;
	v15 =	vadd.s32 v17, v15  }
0x112: {  	v16 =	vshll.u32 v16, $0x2;
	v7 =	vadd.s32 v9, v7;
	v50 =	vmul.u32 v13, v14  }
0x113: {  	v51 =	vor.u32 v4, v16;
	v6 =	vadd.s32 v6, v7  }
0x114: {  	v7 =	vadd.s32 v8, v15;
	v52 =	vmul.u32 v10, v50;
	v53 =	vsub.s32 $0x0, v11  }
0x115: {  	v54 =	vor.u32 $0x1, v51;
	vm1 =	vne.s32 v7, v53;
	v7 =	vsub.s32 $0x0, v12  }
0x116: {  	v9 =	vsel vm1, $0x1, v5;
	vm2 =	vne.s32 v6, v7;
	vm3 =	vne.s32 v52, $0x0  }
0x117: {  	v6 =	vsel vm2, $0x1, v5;
	v7 =	vsel vm3, $0x1, v5;
	[tilespmem:s14+$0x0] =	vst v9  }
0x118: {  	v7 =	vnsel vm1, $0xFFFFFFFF, v7;
	[tilespmem:s13+$0x0] =	vst v6  }
0x119: {  	[tilespmem:s12+$0x0] =	vst v7  }
0x11a: {  	v7 =	vld.idx.msk [tilespmem:v54+s4+$0x0], $0xffff  }
0x11b: {  	v6 =	vor.u32 $0x2, v51  }
0x11c: {  	v55 =	vor.u32 $0x3, v51;
	v9 =	vld.idx.msk [tilespmem:v51+s4+$0x0], $0xffff;
	_ =	sdelay $0x3  }
0x11d: {  	v6 =	vld.idx.msk [tilespmem:v6+s4+$0x0], $0xffff  }
0x11e: {  	v8 =	vld.idx.msk [tilespmem:v55+s4+$0x0], $0xffff  }
0x11f: {  	v10 =	vld.idx.msk [tilespmem:v7+s22+$0x0], $0xffff  }
0x120: {  	v56 =	vld.idx.msk [tilespmem:v7+s21+$0x0], $0xffff  }
0x121: {  	v57 =	vld.idx.msk [tilespmem:v9+s22+$0x0], $0xffff  }
0x122: {  	v13 =	vld.idx.msk [tilespmem:v9+s21+$0x0], $0xffff  }
0x123: {  	v7 =	vld.idx.msk [tilespmem:v7+s20+$0x0], $0xffff  }
0x124: {  	v9 =	vld.idx.msk [tilespmem:v9+s20+$0x0], $0xffff  }
0x125: {  	v58 =	vld.idx.msk [tilespmem:v6+s21+$0x0], $0xffff  }
0x126: {  	v59 =	vld.idx.msk [tilespmem:v6+s20+$0x0], $0xffff  }
0x127: {  	v6 =	vld.idx.msk [tilespmem:v6+s22+$0x0], $0xffff  }
0x128: {  	v60 =	vld.idx.msk [tilespmem:v8+s22+$0x0], $0xffff  }
0x129: {  	v17 =	vld.idx.msk [tilespmem:v8+s20+$0x0], $0xffff  }
0x12a: {  	v8 =	vld.idx.msk [tilespmem:v8+s21+$0x0], $0xffff;
	v10 =	vmul.u32 v57, v10;
	_ =	sdelay $0x1  }
0x12b: {  	v6 =	vmul.u32 v6, v10  }
0x12c: {  	v7 =	vadd.s32 v9, v7;
	v61 =	vadd.s32 v13, v56  }
0x12d: {  	v62 =	vsub.s32 $0x0, v17;
	v7 =	vadd.s32 v59, v7;
	v6 =	vmul.u32 v60, v6  }
0x12e: {  	v9 =	vadd.s32 v58, v61;
	vm1 =	vne.s32 v7, v62;
	v7 =	vsub.s32 $0x0, v8  }
0x12f: {  	s9 =	sadd.s32 $0x10, s9;
	v63 =	vsel vm1, $0x1, v5;
	vm2 =	vne.s32 v9, v7;
	vm3 =	vne.s32 v6, $0x0  }
0x130: {  	s8 =	sadd.s32 $0x10, s8;
	[tilespmem:s9+$0x0] =	vst v63;
	v6 =	vsel vm2, $0x1, v5;
	v7 =	vsel vm3, $0x1, v5  }
0x131: {  	[tilespmem:s8+$0x0] =	vst v6;
	v7 =	vnsel vm1, $0xFFFFFFFF, v7  }
0x132: {  	s13 =	simm.s32 $0x1FB00;
	s12 =	rddreg [dreg:$0xe];
	[tilespmem:s7+$0x0] =	vst v7;
	s7 =	simm.s32 $0x0  }
0x133: {  	[hbm4b:s12+s7] =	stream.linear.scatter [tilespmem:s13], [sflag:$0x5], $0x80, $0x38;
	[tilespmem:$0x1FC80] =	vst v63  }
.Ltmp3:
0x134: {  	s15 =	simm.s32 $0x1FB80;
	s14 =	rddreg [dreg:$0xf];
	(pc) =	sbr.rel .LBB2_4-.Ltmp3, $4  }
0x135: {  	[hbm4b:s14+s7] =	stream.linear.scatter [tilespmem:s15], [sflag:$0x5], $0x80, $0x38;
	[tilespmem:$0x1FC80] =	vst v63  }
0x136: {  	s17 =	rddreg [dreg:$0x10];
	s19 =	simm.s32 $0x1FC00  }
0x137: {  	[hbm4b:s17+s7] =	stream.linear.scatter [tilespmem:s19], [sflag:$0x5], $0x80, $0x38;
	[tilespmem:$0x1FC80] =	vst v63  }
0x138: {  	s19 =	simm.s32 $0x300  }
.LBB2_12:
0x139: {  	s7 =	sadd.s32 $0x1, s7  }
0x13a: {  	p0 =	sne.s32 s7, $0x4  }
.Ltmp4:
0x13b: {  	_ = 	snop;
	(pc) =	sbr.rel @!p0 .LBB2_13-.Ltmp4, $3  }
0x13c: {  	_ =	sdelay $0x1  }
0x13d: {  	s8 =	sadd.s32 s16, s9  }
0x13e: {  	[hbm4b:s8+s4] =	stream.linear.scatter [tilespmem:s6], [sflag:$0x4], $0x3000, $0x38;
	[tilespmem:$0x1FC80] =	vst v63  }
.LBB2_4:
0x13f: {  	_ =	swait.ge [sflag:s31], $0xC000  }
0x140: {  	p0 =	seq.s32 s7, $0x0;
	[sflag:s31] =	ssyncset.done $0x0  }
0x141: {  	s9 =	simm.s32 @!p0 $0x3;
	[sflag:s31] =	ssyncadd.s32 $0xFFFF4000  }
0x142: {  	_ =	swait.ge @!p0 [sflag:s9], $0x3000  }
0x143: {  	s8 =	sshll.u32 s7, $0x7;
	[sflag:s9] =	ssyncset.done @!p0 $0x0  }
0x144: {  	s12 =	simm.s32 $0x0;
	[sflag:s9] =	ssyncadd.s32 @!p0 $0xFFFFD000;
	s9 =	simm.s32 $0x0  }
.LBB2_5:
0x145: {  	s13 =	sand.u32 $0x70, s12;
	s14 =	sand.u32 $0x1C00, s9  }
0x146: {  	s13 =	sor.u32 s13, s14  }
0x147: {  	v6 =	vld [tilespmem:s13+$0x300]  }
0x148: {  	v7 =	vld [tilespmem:s13+$0x380]  }
0x149: {  	v8 =	vld [tilespmem:s13+$0x400]  }
0x14a: {  	v9 =	vld [tilespmem:s13+$0x480]  }
0x14b: {  	v56 =	vld [tilespmem:s13+$0x580]  }
0x14c: {  	v10 =	vld [tilespmem:s13+$0x1B00]  }
0x14d: {  	v11 =	vld [tilespmem:s13+$0x1B80]  }
0x14e: {  	v12 =	vld [tilespmem:s13+$0x1C00]  }
0x14f: {  	v13 =	vld [tilespmem:s13+$0x1C80]  }
0x150: {  	v14 =	vld [tilespmem:s13+$0x1D00]  }
0x151: {  	v15 =	vld [tilespmem:s13+$0x1D80]  }
0x152: {  	v16 =	vld [tilespmem:s13+$0x1E00]  }
0x153: {  	v17 =	vld [tilespmem:s13+$0x1E80]  }
0x154: {  	v18 =	vld [tilespmem:s13+$0x3300]  }
0x155: {  	v19 =	vld [tilespmem:s13+$0x3380]  }
0x156: {  	v20 =	vld [tilespmem:s13+$0x3400];
	v6 =	vadd.f32 v7, v6  }
0x157: {  	v21 =	vld [tilespmem:s13+$0x3480]  }
0x158: {  	v22 =	vld [tilespmem:s13+$0x3500];
	v6 =	vadd.f32 v8, v6  }
0x159: {  	v23 =	vld [tilespmem:s13+$0x3580]  }
0x15a: {  	v58 =	vld [tilespmem:s13+$0x4B00];
	v6 =	vadd.f32 v9, v6  }
0x15b: {  	v59 =	vld [tilespmem:s13+$0x4B80]  }
0x15c: {  	v7 =	vld [tilespmem:s13+$0x500];
	v6 =	vmul.f32 $2.500000000e-01, v6  }
0x15d: {  	v60 =	vld [tilespmem:s13+$0x4D00]  }
0x15e: {  	s17 =	sor.u32 s9, s12;
	[tilespmem:s13+$0x18300] =	vst v6;
	v6 =	vld [tilespmem:s13+$0x600]  }
0x15f: {  	s14 =	sor.u32 $0x380, s17;
	v61 =	vld [tilespmem:s13+$0x4D80]  }
0x160: {  	v10 =	vadd.f32 v11, v10;
	v57 =	vld [tilespmem:s14+$0x300]  }
0x161: {  	v24 =	vld [tilespmem:s13+$0x3600];
	v63 =	vadd.f32 v19, v18;
	v7 =	vadd.f32 v56, v7  }
0x162: {  	v25 =	vld [tilespmem:s13+$0x3680];
	v27 =	vadd.f32 v23, v22;
	v10 =	vadd.f32 v12, v10  }
0x163: {  	v62 =	vld [tilespmem:s13+$0x4C00];
	v6 =	vadd.f32 v6, v7;
	v7 =	vadd.f32 v15, v14  }
0x164: {  	v26 =	vld [tilespmem:s13+$0x4E00];
	v8 =	vadd.f32 v59, v58;
	v12 =	vadd.f32 v61, v60  }
0x165: {  	v28 =	vld [tilespmem:s13+$0x4C80];
	v6 =	vadd.f32 v57, v6;
	v7 =	vadd.f32 v16, v7  }
0x166: {  	v29 =	vld [tilespmem:s13+$0x4E80];
	v10 =	vadd.f32 v13, v10;
	v13 =	vadd.f32 v20, v63  }
0x167: {  	v16 =	vadd.f32 v24, v27;
	v7 =	vadd.f32 v17, v7;
	v6 =	vmul.f32 $2.500000000e-01, v6  }
0x168: {  	v8 =	vadd.f32 v62, v8;
	v10 =	vmul.f32 $2.500000000e-01, v10;
	v13 =	vadd.f32 v21, v13  }
0x169: {  	v30 =	vadd.f32 v26, v12;
	[tilespmem:s13+$0x18380] =	vst v6;
	v6 =	vmul.f32 $2.500000000e-01, v7;
	v7 =	vadd.f32 v25, v16  }
0x16a: {  	v8 =	vadd.f32 v28, v8;
	v31 =	vmul.f32 $2.500000000e-01, v13;
	[tilespmem:s13+$0x18400] =	vst v10  }
0x16b: {  	[tilespmem:s13+$0x18480] =	vst v6;
	v6 =	vmul.f32 $2.500000000e-01, v7;
	v7 =	vadd.f32 v29, v30  }
0x16c: {  	v8 =	vmul.f32 $2.500000000e-01, v8;
	[tilespmem:s13+$0x18500] =	vst v31  }
0x16d: {  	[tilespmem:s13+$0x18580] =	vst v6;
	v6 =	vmul.f32 $2.500000000e-01, v7  }
0x16e: {  	[tilespmem:s13+$0x18600] =	vst v8  }
0x16f: {  	[tilespmem:s14+$0x18300] =	vst v6  }
0x170: {  	v6 =	vld [tilespmem:s13+$0x6300]  }
0x171: {  	v7 =	vld [tilespmem:s13+$0x6380]  }
0x172: {  	v32 =	vld [tilespmem:s13+$0x6400]  }
0x173: {  	v33 =	vld [tilespmem:s13+$0x6480]  }
0x174: {  	v34 =	vld [tilespmem:s13+$0x6500]  }
0x175: {  	v35 =	vld [tilespmem:s13+$0x6580]  }
0x176: {  	v36 =	vld [tilespmem:s13+$0x6600]  }
0x177: {  	v37 =	vld [tilespmem:s13+$0x6680]  }
0x178: {  	v38 =	vld [tilespmem:s13+$0x7B00]  }
0x179: {  	v39 =	vld [tilespmem:s13+$0x7B80]  }
0x17a: {  	v40 =	vld [tilespmem:s13+$0x7C00]  }
0x17b: {  	v41 =	vld [tilespmem:s13+$0x7C80]  }
0x17c: {  	v42 =	vld [tilespmem:s13+$0x7D00]  }
0x17d: {  	v43 =	vld [tilespmem:s13+$0x7D80]  }
0x17e: {  	v44 =	vld [tilespmem:s13+$0x7E00]  }
0x17f: {  	v45 =	vld [tilespmem:s13+$0x7E80]  }
0x180: {  	v46 =	vld [tilespmem:s13+$0x9300]  }
0x181: {  	v47 =	vld [tilespmem:s13+$0x9380]  }
0x182: {  	v26 =	vld [tilespmem:s13+$0x9500]  }
0x183: {  	v27 =	vld [tilespmem:s13+$0x9580]  }
0x184: {  	v50 =	vld [tilespmem:s13+$0xAB00]  }
0x185: {  	v52 =	vld [tilespmem:s13+$0xAB80]  }
0x186: {  	v54 =	vld [tilespmem:s13+$0xAD00]  }
0x187: {  	v55 =	vld [tilespmem:s13+$0xAD80]  }
0x188: {  	v48 =	vld [tilespmem:s13+$0x9400];
	v6 =	vadd.f32 v7, v6;
	v10 =	vadd.f32 v35, v34  }
0x189: {  	v49 =	vld [tilespmem:s13+$0x9480];
	v51 =	vadd.f32 v39, v38;
	v53 =	vadd.f32 v43, v42  }
0x18a: {  	v28 =	vld [tilespmem:s13+$0x9600];
	v57 =	vadd.f32 v47, v46;
	v59 =	vadd.f32 v27, v26  }
0x18b: {  	v58 =	vld [tilespmem:s13+$0xAE00];
	v11 =	vadd.f32 v52, v50;
	v6 =	vadd.f32 v32, v6  }
0x18c: {  	v7 =	vld [tilespmem:s13+$0x9680];
	v9 =	vadd.f32 v55, v54;
	v10 =	vadd.f32 v36, v10  }
0x18d: {  	v56 =	vld [tilespmem:s13+$0xAC00];
	v8 =	vadd.f32 v40, v51;
	v6 =	vadd.f32 v33, v6  }
0x18e: {  	v61 =	vld [tilespmem:s13+$0xAE80];
	v12 =	vadd.f32 v44, v53;
	v10 =	vadd.f32 v37, v10  }
0x18f: {  	v60 =	vld [tilespmem:s13+$0xAC80];
	v18 =	vadd.f32 v28, v59;
	v8 =	vadd.f32 v41, v8;
	v6 =	vmul.f32 $2.500000000e-01, v6  }
0x190: {  	v16 =	vadd.f32 v48, v57;
	v12 =	vadd.f32 v45, v12;
	v10 =	vmul.f32 $2.500000000e-01, v10  }
0x191: {  	v9 =	vadd.f32 v58, v9;
	v7 =	vadd.f32 v7, v18;
	v8 =	vmul.f32 $2.500000000e-01, v8;
	[tilespmem:s13+$0x19B00] =	vst v6  }
0x192: {  	v11 =	vadd.f32 v56, v11;
	v62 =	vmul.f32 $2.500000000e-01, v12;
	v6 =	vadd.f32 v49, v16;
	[tilespmem:s13+$0x19B80] =	vst v10  }
0x193: {  	p1 =	sne.s32 s12, $0x2F0;
	v9 =	vadd.f32 v61, v9;
	v7 =	vmul.f32 $2.500000000e-01, v7;
	[tilespmem:s13+$0x19C00] =	vst v8  }
.Ltmp5:
0x194: {  	v63 =	vadd.f32 v60, v11;
	[tilespmem:s13+$0x19C80] =	vst v62;
	v6 =	vmul.f32 $2.500000000e-01, v6;
	(pc) =	sbr.rel @p1 .LBB2_5-.Ltmp5, $4  }
0x195: {  	[tilespmem:s13+$0x19D80] =	vst v7;
	v7 =	vmul.f32 $2.500000000e-01, v9  }
0x196: {  	[tilespmem:s13+$0x19D00] =	vst v6;
	v6 =	vmul.f32 $2.500000000e-01, v63  }
0x197: {  	[tilespmem:s13+$0x19E80] =	vst v7  }
0x198: {  	s9 =	sadd.s32 $0x80, s9;
	s12 =	sadd.s32 $0x10, s12;
	[tilespmem:s13+$0x19E00] =	vst v6  }
0x199: {  	p1 =	seq.s32 s7, $0x3  }
.Ltmp6:
0x19a: {  	_ = 	snop;
	(pc) =	sbr.rel @p1 .LBB2_8-.Ltmp6, $1  }
0x19b: {  	_ =	sdelay $0x3  }
0x19c: {  	v6 =	vld [tilespmem:s8+$0x80];
	_ =	sdelay $0x4  }
0x19d: {  	v7 =	vadd.s32 v0, v6  }
0x19e: {  	[tilespmem:$0x200] =	vst v7  }
0x19f: {  	v8 =	vld [tilespmem:s8+$0x90];
	_ =	sdelay $0x4  }
0x1a0: {  	v8 =	vadd.s32 v0, v8  }
0x1a1: {  	[tilespmem:$0x210] =	vst v8  }
0x1a2: {  	v8 =	vld [tilespmem:s8+$0xA0];
	_ =	sdelay $0x2  }
0x1a3: {  	v7 =	vshrl.u32 v7, $0x3  }
0x1a4: {  	v7 =	vmul.u32 $0x30, v7  }
0x1a5: {  	v6 =	vand.u32 $0x7, v6;
	v8 =	vadd.s32 v0, v8  }
0x1a6: {  	v6 =	vor.u32 v6, v7;
	[tilespmem:$0x220] =	vst v8  }
0x1a7: {  	v63 =	vperm.xlane v6, v1;
	v7 =	vld [tilespmem:s8+$0xB0];
	_ =	sdelay $0x1  }
0x1a8: {  	v8 =	vadd.s32 v2, v63;
	_ =	sdelay $0x2  }
0x1a9: {  	v7 =	vadd.s32 v0, v7  }
0x1aa: {  	v6 =	vperm.xlane v6, v3;
	[tilespmem:$0x230] =	vst v7  }
0x1ab: {  	[tilespmem:s19], [sflag:$0x1] =	stream.indirect_vreg.gather [hbm4b:s0+s4], $0x80, v8, vm0, $0xb8;
	[tilespmem:$0x1FC80] =	vst v63  }
0x1ac: {  	s9 =	simm.s32 $0xB00;
	v6 =	vadd.s32 v2, v6  }
0x1ad: {  	[tilespmem:s9], [sflag:$0x1] =	stream.indirect_vreg.gather [hbm4b:s10+s4], $0x80, v8, vm0, $0xb8;
	[tilespmem:$0x1FC80] =	vst v63  }
0x1ae: {  	s15 =	simm.s32 $0x1300  }
0x1af: {  	[tilespmem:s15], [sflag:$0x1] =	stream.indirect_vreg.gather [hbm4b:s11+s4], $0x80, v8, vm0, $0xb8;
	[tilespmem:$0x1FC80] =	vst v63  }
0x1b0: {  	s17 =	simm.s32 $0x1B00  }
0x1b1: {  	[tilespmem:s17], [sflag:$0x1] =	stream.indirect_vreg.gather [hbm4b:s0+s4], $0x80, v6, vm0, $0xb8;
	[tilespmem:$0x1FC80] =	vst v63  }
0x1b2: {  	s12 =	simm.s32 $0x2300  }
0x1b3: {  	[tilespmem:s12], [sflag:$0x1] =	stream.indirect_vreg.gather [hbm4b:s10+s4], $0x80, v6, vm0, $0xb8;
	[tilespmem:$0x1FC80] =	vst v63  }
0x1b4: {  	s13 =	simm.s32 $0x2B00  }
0x1b5: {  	[tilespmem:s13], [sflag:$0x1] =	stream.indirect_vreg.gather [hbm4b:s11+s4], $0x80, v6, vm0, $0xb8;
	[tilespmem:$0x1FC80] =	vst v63  }
0x1b6: {  	v6 =	vld [tilespmem:$0x210];
	_ =	sdelay $0x4  }
0x1b7: {  	v7 =	vshrl.u32 v6, $0x3  }
0x1b8: {  	v7 =	vmul.u32 $0x30, v7  }
0x1b9: {  	v6 =	vand.u32 $0x7, v6  }
0x1ba: {  	v6 =	vor.u32 v6, v7  }
0x1bb: {  	v7 =	vperm.xlane v6, v1;
	_ =	sdelay $0x1  }
0x1bc: {  	v7 =	vadd.s32 v2, v7;
	_ =	sdelay $0x3  }
0x1bd: {  	s14 =	simm.s32 $0x3300;
	v6 =	vperm.xlane v6, v3  }
0x1be: {  	[tilespmem:s14], [sflag:$0x1] =	stream.indirect_vreg.gather [hbm4b:s0+s4], $0x80, v7, vm0, $0xb8;
	[tilespmem:$0x1FC80] =	vst v63  }
0x1bf: {  	s15 =	simm.s32 $0x3B00;
	v6 =	vadd.s32 v2, v6  }
0x1c0: {  	[tilespmem:s15], [sflag:$0x1] =	stream.indirect_vreg.gather [hbm4b:s10+s4], $0x80, v7, vm0, $0xb8;
	[tilespmem:$0x1FC80] =	vst v63  }
0x1c1: {  	s17 =	simm.s32 $0x4300  }
0x1c2: {  	[tilespmem:s17], [sflag:$0x1] =	stream.indirect_vreg.gather [hbm4b:s11+s4], $0x80, v7, vm0, $0xb8;
	[tilespmem:$0x1FC80] =	vst v63  }
0x1c3: {  	s12 =	simm.s32 $0x4B00  }
0x1c4: {  	[tilespmem:s12], [sflag:$0x1] =	stream.indirect_vreg.gather [hbm4b:s0+s4], $0x80, v6, vm0, $0xb8;
	[tilespmem:$0x1FC80] =	vst v63  }
0x1c5: {  	s13 =	simm.s32 $0x5300  }
0x1c6: {  	[tilespmem:s13], [sflag:$0x1] =	stream.indirect_vreg.gather [hbm4b:s10+s4], $0x80, v6, vm0, $0xb8;
	[tilespmem:$0x1FC80] =	vst v63  }
0x1c7: {  	s14 =	simm.s32 $0x5B00  }
0x1c8: {  	[tilespmem:s14], [sflag:$0x1] =	stream.indirect_vreg.gather [hbm4b:s11+s4], $0x80, v6, vm0, $0xb8;
	[tilespmem:$0x1FC80] =	vst v63  }
0x1c9: {  	v6 =	vld [tilespmem:$0x220];
	_ =	sdelay $0x4  }
0x1ca: {  	v7 =	vshrl.u32 v6, $0x3  }
0x1cb: {  	v7 =	vmul.u32 $0x30, v7  }
0x1cc: {  	v6 =	vand.u32 $0x7, v6  }
0x1cd: {  	v6 =	vor.u32 v6, v7  }
0x1ce: {  	v7 =	vperm.xlane v6, v1;
	_ =	sdelay $0x1  }
0x1cf: {  	v7 =	vadd.s32 v2, v7;
	_ =	sdelay $0x3  }
0x1d0: {  	s15 =	simm.s32 $0x6300;
	v6 =	vperm.xlane v6, v3  }
0x1d1: {  	[tilespmem:s15], [sflag:$0x1] =	stream.indirect_vreg.gather [hbm4b:s0+s4], $0x80, v7, vm0, $0xb8;
	[tilespmem:$0x1FC80] =	vst v63  }
0x1d2: {  	s17 =	simm.s32 $0x6B00;
	v6 =	vadd.s32 v2, v6  }
0x1d3: {  	[tilespmem:s17], [sflag:$0x1] =	stream.indirect_vreg.gather [hbm4b:s10+s4], $0x80, v7, vm0, $0xb8;
	[tilespmem:$0x1FC80] =	vst v63  }
0x1d4: {  	s12 =	simm.s32 $0x7300  }
0x1d5: {  	[tilespmem:s12], [sflag:$0x1] =	stream.indirect_vreg.gather [hbm4b:s11+s4], $0x80, v7, vm0, $0xb8;
	[tilespmem:$0x1FC80] =	vst v63  }
0x1d6: {  	s13 =	simm.s32 $0x7B00  }
0x1d7: {  	[tilespmem:s13], [sflag:$0x1] =	stream.indirect_vreg.gather [hbm4b:s0+s4], $0x80, v6, vm0, $0xb8;
	[tilespmem:$0x1FC80] =	vst v63  }
0x1d8: {  	s14 =	simm.s32 $0x8300  }
0x1d9: {  	[tilespmem:s14], [sflag:$0x1] =	stream.indirect_vreg.gather [hbm4b:s10+s4], $0x80, v6, vm0, $0xb8;
	[tilespmem:$0x1FC80] =	vst v63  }
0x1da: {  	s15 =	simm.s32 $0x8B00  }
0x1db: {  	[tilespmem:s15], [sflag:$0x1] =	stream.indirect_vreg.gather [hbm4b:s11+s4], $0x80, v6, vm0, $0xb8;
	[tilespmem:$0x1FC80] =	vst v63  }
0x1dc: {  	v6 =	vld [tilespmem:$0x230];
	_ =	sdelay $0x4  }
0x1dd: {  	v7 =	vshrl.u32 v6, $0x3  }
0x1de: {  	v7 =	vmul.u32 $0x30, v7  }
0x1df: {  	v6 =	vand.u32 $0x7, v6  }
0x1e0: {  	v6 =	vor.u32 v6, v7  }
0x1e1: {  	v7 =	vperm.xlane v6, v1;
	_ =	sdelay $0x1  }
0x1e2: {  	v7 =	vadd.s32 v2, v7;
	_ =	sdelay $0x3  }
0x1e3: {  	s17 =	simm.s32 $0x9300;
	v6 =	vperm.xlane v6, v3  }
0x1e4: {  	[tilespmem:s17], [sflag:$0x1] =	stream.indirect_vreg.gather [hbm4b:s0+s4], $0x80, v7, vm0, $0xb8;
	[tilespmem:$0x1FC80] =	vst v63  }
0x1e5: {  	s12 =	simm.s32 $0x9B00;
	v6 =	vadd.s32 v2, v6  }
0x1e6: {  	[tilespmem:s12], [sflag:$0x1] =	stream.indirect_vreg.gather [hbm4b:s10+s4], $0x80, v7, vm0, $0xb8;
	[tilespmem:$0x1FC80] =	vst v63  }
0x1e7: {  	s13 =	simm.s32 $0xA300  }
0x1e8: {  	[tilespmem:s13], [sflag:$0x1] =	stream.indirect_vreg.gather [hbm4b:s11+s4], $0x80, v7, vm0, $0xb8;
	[tilespmem:$0x1FC80] =	vst v63  }
0x1e9: {  	s14 =	simm.s32 $0xAB00  }
0x1ea: {  	[tilespmem:s14], [sflag:$0x1] =	stream.indirect_vreg.gather [hbm4b:s0+s4], $0x80, v6, vm0, $0xb8;
	[tilespmem:$0x1FC80] =	vst v63  }
0x1eb: {  	s15 =	simm.s32 $0xB300  }
0x1ec: {  	[tilespmem:s15], [sflag:$0x1] =	stream.indirect_vreg.gather [hbm4b:s10+s4], $0x80, v6, vm0, $0xb8;
	[tilespmem:$0x1FC80] =	vst v63  }
0x1ed: {  	s17 =	simm.s32 $0xBB00  }
0x1ee: {  	[tilespmem:s17], [sflag:$0x1] =	stream.indirect_vreg.gather [hbm4b:s11+s4], $0x80, v6, vm0, $0xb8;
	[tilespmem:$0x1FC80] =	vst v63  }
.LBB2_8:
0x1ef: {  	s9 =	sshll.u32 s7, $0x5  }
0x1f0: {  	s9 =	sor.u32 s5, s9  }
0x1f1: {  	s9 =	sshrl.u32 s9, $0x3  }
0x1f2: {  	s9 =	smul.u32 $0x300, s9;
	_ =	sdelay $0x1  }
0x1f3: {  	s12 =	sadd.s32 s2, s9  }
0x1f4: {  	[hbm4b:s12+s4] =	stream.linear.scatter [tilespmem:s3], [sflag:$0x3], $0x3000, $0x38;
	[tilespmem:$0x1FC80] =	vst v63  }
0x1f5: {  	_ =	swait.ge [sflag:s1], $0xC000  }
0x1f6: {  	[sflag:s1] =	ssyncset.done $0x0  }
0x1f7: {  	s13 =	simm.s32 @!p0 $0x4;
	[sflag:s1] =	ssyncadd.s32 $0xFFFF4000  }
0x1f8: {  	_ =	swait.ge @!p0 [sflag:s13], $0x3000  }
0x1f9: {  	s14 =	simm.s32 $0x0;
	[sflag:s13] =	ssyncset.done @!p0 $0x0  }
0x1fa: {  	s12 =	sadd.s32 $0xC0, s8;
	[sflag:s13] =	ssyncadd.s32 @!p0 $0xFFFFD000;
	s13 =	simm.s32 $0x0  }
.LBB2_9:
0x1fb: {  	s15 =	sand.u32 $0x70, s14;
	s17 =	sand.u32 $0x1C00, s13  }
0x1fc: {  	s15 =	sor.u32 s15, s17  }
0x1fd: {  	v6 =	vld [tilespmem:s15+$0xC300]  }
0x1fe: {  	v7 =	vld [tilespmem:s15+$0xC380]  }
0x1ff: {  	v8 =	vld [tilespmem:s15+$0xC400]  }
0x200: {  	v9 =	vld [tilespmem:s15+$0xC480]  }
0x201: {  	v56 =	vld [tilespmem:s15+$0xC580]  }
0x202: {  	v10 =	vld [tilespmem:s15+$0xDB00]  }
0x203: {  	v11 =	vld [tilespmem:s15+$0xDB80]  }
0x204: {  	v12 =	vld [tilespmem:s15+$0xDC00]  }
0x205: {  	v13 =	vld [tilespmem:s15+$0xDC80]  }
0x206: {  	v14 =	vld [tilespmem:s15+$0xDD00]  }
0x207: {  	v15 =	vld [tilespmem:s15+$0xDD80]  }
0x208: {  	v16 =	vld [tilespmem:s15+$0xDE00]  }
0x209: {  	v17 =	vld [tilespmem:s15+$0xDE80]  }
0x20a: {  	v18 =	vld [tilespmem:s15+$0xF300]  }
0x20b: {  	v19 =	vld [tilespmem:s15+$0xF380]  }
0x20c: {  	v20 =	vld [tilespmem:s15+$0xF400];
	v6 =	vadd.f32 v7, v6  }
0x20d: {  	v21 =	vld [tilespmem:s15+$0xF480]  }
0x20e: {  	v22 =	vld [tilespmem:s15+$0xF500];
	v6 =	vadd.f32 v8, v6  }
0x20f: {  	v23 =	vld [tilespmem:s15+$0xF580]  }
0x210: {  	v58 =	vld [tilespmem:s15+$0x10B00];
	v6 =	vadd.f32 v9, v6  }
0x211: {  	v59 =	vld [tilespmem:s15+$0x10B80]  }
0x212: {  	v7 =	vld [tilespmem:s15+$0xC500];
	v6 =	vmul.f32 $2.500000000e-01, v6  }
0x213: {  	v60 =	vld [tilespmem:s15+$0x10D00]  }
0x214: {  	s17 =	sor.u32 s13, s14;
	[tilespmem:s15+$0x1B300] =	vst v6;
	v6 =	vld [tilespmem:s15+$0xC600]  }
0x215: {  	s17 =	sor.u32 $0x380, s17;
	v61 =	vld [tilespmem:s15+$0x10D80]  }
0x216: {  	v10 =	vadd.f32 v11, v10;
	v57 =	vld [tilespmem:s17+$0xC300]  }
0x217: {  	v24 =	vld [tilespmem:s15+$0xF600];
	v63 =	vadd.f32 v19, v18;
	v7 =	vadd.f32 v56, v7  }
0x218: {  	v25 =	vld [tilespmem:s15+$0xF680];
	v27 =	vadd.f32 v23, v22;
	v10 =	vadd.f32 v12, v10  }
0x219: {  	v62 =	vld [tilespmem:s15+$0x10C00];
	v6 =	vadd.f32 v6, v7;
	v7 =	vadd.f32 v15, v14  }
0x21a: {  	v26 =	vld [tilespmem:s15+$0x10E00];
	v8 =	vadd.f32 v59, v58;
	v12 =	vadd.f32 v61, v60  }
0x21b: {  	v28 =	vld [tilespmem:s15+$0x10C80];
	v6 =	vadd.f32 v57, v6;
	v7 =	vadd.f32 v16, v7  }
0x21c: {  	v29 =	vld [tilespmem:s15+$0x10E80];
	v10 =	vadd.f32 v13, v10;
	v13 =	vadd.f32 v20, v63  }
0x21d: {  	v16 =	vadd.f32 v24, v27;
	v7 =	vadd.f32 v17, v7;
	v6 =	vmul.f32 $2.500000000e-01, v6  }
0x21e: {  	v8 =	vadd.f32 v62, v8;
	v10 =	vmul.f32 $2.500000000e-01, v10;
	v13 =	vadd.f32 v21, v13  }
0x21f: {  	v30 =	vadd.f32 v26, v12;
	[tilespmem:s15+$0x1B380] =	vst v6;
	v6 =	vmul.f32 $2.500000000e-01, v7;
	v7 =	vadd.f32 v25, v16  }
0x220: {  	v8 =	vadd.f32 v28, v8;
	v31 =	vmul.f32 $2.500000000e-01, v13;
	[tilespmem:s15+$0x1B400] =	vst v10  }
0x221: {  	[tilespmem:s15+$0x1B480] =	vst v6;
	v6 =	vmul.f32 $2.500000000e-01, v7;
	v7 =	vadd.f32 v29, v30  }
0x222: {  	v8 =	vmul.f32 $2.500000000e-01, v8;
	[tilespmem:s15+$0x1B500] =	vst v31  }
0x223: {  	[tilespmem:s15+$0x1B580] =	vst v6;
	v6 =	vmul.f32 $2.500000000e-01, v7  }
0x224: {  	[tilespmem:s15+$0x1B600] =	vst v8  }
0x225: {  	[tilespmem:s17+$0x1B300] =	vst v6  }
0x226: {  	v6 =	vld [tilespmem:s15+$0x12300]  }
0x227: {  	v7 =	vld [tilespmem:s15+$0x12380]  }
0x228: {  	v32 =	vld [tilespmem:s15+$0x12400]  }
0x229: {  	v33 =	vld [tilespmem:s15+$0x12480]  }
0x22a: {  	v34 =	vld [tilespmem:s15+$0x12500]  }
0x22b: {  	v35 =	vld [tilespmem:s15+$0x12580]  }
0x22c: {  	v36 =	vld [tilespmem:s15+$0x12600]  }
0x22d: {  	v37 =	vld [tilespmem:s15+$0x12680]  }
0x22e: {  	v38 =	vld [tilespmem:s15+$0x13B00]  }
0x22f: {  	v39 =	vld [tilespmem:s15+$0x13B80]  }
0x230: {  	v40 =	vld [tilespmem:s15+$0x13C00]  }
0x231: {  	v41 =	vld [tilespmem:s15+$0x13C80]  }
0x232: {  	v42 =	vld [tilespmem:s15+$0x13D00]  }
0x233: {  	v43 =	vld [tilespmem:s15+$0x13D80]  }
0x234: {  	v44 =	vld [tilespmem:s15+$0x13E00]  }
0x235: {  	v45 =	vld [tilespmem:s15+$0x13E80]  }
0x236: {  	v46 =	vld [tilespmem:s15+$0x15300]  }
0x237: {  	v47 =	vld [tilespmem:s15+$0x15380]  }
0x238: {  	v26 =	vld [tilespmem:s15+$0x15500]  }
0x239: {  	v27 =	vld [tilespmem:s15+$0x15580]  }
0x23a: {  	v50 =	vld [tilespmem:s15+$0x16B00]  }
0x23b: {  	v52 =	vld [tilespmem:s15+$0x16B80]  }
0x23c: {  	v54 =	vld [tilespmem:s15+$0x16D00]  }
0x23d: {  	v55 =	vld [tilespmem:s15+$0x16D80]  }
0x23e: {  	v48 =	vld [tilespmem:s15+$0x15400];
	v6 =	vadd.f32 v7, v6;
	v10 =	vadd.f32 v35, v34  }
0x23f: {  	v49 =	vld [tilespmem:s15+$0x15480];
	v51 =	vadd.f32 v39, v38;
	v53 =	vadd.f32 v43, v42  }
0x240: {  	v28 =	vld [tilespmem:s15+$0x15600];
	v57 =	vadd.f32 v47, v46;
	v59 =	vadd.f32 v27, v26  }
0x241: {  	v58 =	vld [tilespmem:s15+$0x16E00];
	v11 =	vadd.f32 v52, v50;
	v6 =	vadd.f32 v32, v6  }
0x242: {  	v7 =	vld [tilespmem:s15+$0x15680];
	v9 =	vadd.f32 v55, v54;
	v10 =	vadd.f32 v36, v10  }
0x243: {  	v56 =	vld [tilespmem:s15+$0x16C00];
	v8 =	vadd.f32 v40, v51;
	v6 =	vadd.f32 v33, v6  }
0x244: {  	v61 =	vld [tilespmem:s15+$0x16E80];
	v12 =	vadd.f32 v44, v53;
	v10 =	vadd.f32 v37, v10  }
0x245: {  	v60 =	vld [tilespmem:s15+$0x16C80];
	v18 =	vadd.f32 v28, v59;
	v8 =	vadd.f32 v41, v8;
	v6 =	vmul.f32 $2.500000000e-01, v6  }
0x246: {  	v16 =	vadd.f32 v48, v57;
	v12 =	vadd.f32 v45, v12;
	v10 =	vmul.f32 $2.500000000e-01, v10  }
0x247: {  	v9 =	vadd.f32 v58, v9;
	v7 =	vadd.f32 v7, v18;
	v8 =	vmul.f32 $2.500000000e-01, v8;
	[tilespmem:s15+$0x1CB00] =	vst v6  }
0x248: {  	v11 =	vadd.f32 v56, v11;
	v62 =	vmul.f32 $2.500000000e-01, v12;
	v6 =	vadd.f32 v49, v16;
	[tilespmem:s15+$0x1CB80] =	vst v10  }
0x249: {  	p0 =	sne.s32 s14, $0x2F0;
	v9 =	vadd.f32 v61, v9;
	v7 =	vmul.f32 $2.500000000e-01, v7;
	[tilespmem:s15+$0x1CC00] =	vst v8  }
.Ltmp7:
0x24a: {  	v63 =	vadd.f32 v60, v11;
	[tilespmem:s15+$0x1CC80] =	vst v62;
	v6 =	vmul.f32 $2.500000000e-01, v6;
	(pc) =	sbr.rel @p0 .LBB2_9-.Ltmp7, $4  }
0x24b: {  	[tilespmem:s15+$0x1CD80] =	vst v7;
	v7 =	vmul.f32 $2.500000000e-01, v9  }
0x24c: {  	[tilespmem:s15+$0x1CD00] =	vst v6;
	v6 =	vmul.f32 $2.500000000e-01, v63  }
0x24d: {  	[tilespmem:s15+$0x1CE80] =	vst v7  }
0x24e: {  	s13 =	sadd.s32 $0x80, s13;
	s14 =	sadd.s32 $0x10, s14;
	[tilespmem:s15+$0x1CE00] =	vst v6  }
.Ltmp8:
0x24f: {  	(pc) =	sbr.rel @p1 .LBB2_12-.Ltmp8, $1  }
0x250: {  	_ =	sdelay $0x3  }
0x251: {  	v6 =	vld [tilespmem:s8+$0xC0];
	_ =	sdelay $0x4  }
0x252: {  	v7 =	vadd.s32 v0, v6  }
0x253: {  	s17 =	sor.u32 $0x50, s12;
	[tilespmem:$0x280] =	vst v7  }
0x254: {  	v8 =	vld [tilespmem:s17+$0x0];
	_ =	sdelay $0x4  }
0x255: {  	v8 =	vadd.s32 v0, v8  }
0x256: {  	s13 =	sor.u32 $0x60, s12;
	[tilespmem:$0x290] =	vst v8  }
0x257: {  	v8 =	vld [tilespmem:s13+$0x0];
	_ =	sdelay $0x2  }
0x258: {  	v7 =	vshrl.u32 v7, $0x3  }
0x259: {  	v7 =	vmul.u32 $0x30, v7  }
0x25a: {  	v6 =	vand.u32 $0x7, v6;
	v8 =	vadd.s32 v0, v8  }
0x25b: {  	s14 =	sor.u32 $0x70, s12;
	v6 =	vor.u32 v6, v7;
	[tilespmem:$0x2A0] =	vst v8  }
0x25c: {  	v63 =	vperm.xlane v6, v1;
	v7 =	vld [tilespmem:s14+$0x0];
	_ =	sdelay $0x1  }
0x25d: {  	v8 =	vadd.s32 v2, v63;
	_ =	sdelay $0x2  }
0x25e: {  	v7 =	vadd.s32 v0, v7  }
0x25f: {  	s15 =	simm.s32 $0xC300;
	v6 =	vperm.xlane v6, v3;
	[tilespmem:$0x2B0] =	vst v7  }
0x260: {  	[tilespmem:s15], [sflag:$0x2] =	stream.indirect_vreg.gather [hbm4b:s0+s4], $0x80, v8, vm0, $0xb8;
	[tilespmem:$0x1FC80] =	vst v63  }
0x261: {  	s17 =	simm.s32 $0xCB00;
	v6 =	vadd.s32 v2, v6  }
0x262: {  	[tilespmem:s17], [sflag:$0x2] =	stream.indirect_vreg.gather [hbm4b:s10+s4], $0x80, v8, vm0, $0xb8;
	[tilespmem:$0x1FC80] =	vst v63  }
0x263: {  	s12 =	simm.s32 $0xD300  }
0x264: {  	[tilespmem:s12], [sflag:$0x2] =	stream.indirect_vreg.gather [hbm4b:s11+s4], $0x80, v8, vm0, $0xb8;
	[tilespmem:$0x1FC80] =	vst v63  }
0x265: {  	s13 =	simm.s32 $0xDB00  }
0x266: {  	[tilespmem:s13], [sflag:$0x2] =	stream.indirect_vreg.gather [hbm4b:s0+s4], $0x80, v6, vm0, $0xb8;
	[tilespmem:$0x1FC80] =	vst v63  }
0x267: {  	s14 =	simm.s32 $0xE300  }
0x268: {  	[tilespmem:s14], [sflag:$0x2] =	stream.indirect_vreg.gather [hbm4b:s10+s4], $0x80, v6, vm0, $0xb8;
	[tilespmem:$0x1FC80] =	vst v63  }
0x269: {  	s15 =	simm.s32 $0xEB00  }
0x26a: {  	[tilespmem:s15], [sflag:$0x2] =	stream.indirect_vreg.gather [hbm4b:s11+s4], $0x80, v6, vm0, $0xb8;
	[tilespmem:$0x1FC80] =	vst v63  }
0x26b: {  	v6 =	vld [tilespmem:$0x290];
	_ =	sdelay $0x4  }
0x26c: {  	v7 =	vshrl.u32 v6, $0x3  }
0x26d: {  	v7 =	vmul.u32 $0x30, v7  }
0x26e: {  	v6 =	vand.u32 $0x7, v6  }
0x26f: {  	v6 =	vor.u32 v6, v7  }
0x270: {  	v7 =	vperm.xlane v6, v1;
	_ =	sdelay $0x1  }
0x271: {  	v7 =	vadd.s32 v2, v7;
	_ =	sdelay $0x3  }
0x272: {  	s17 =	simm.s32 $0xF300;
	v6 =	vperm.xlane v6, v3  }
0x273: {  	[tilespmem:s17], [sflag:$0x2] =	stream.indirect_vreg.gather [hbm4b:s0+s4], $0x80, v7, vm0, $0xb8;
	[tilespmem:$0x1FC80] =	vst v63  }
0x274: {  	s12 =	simm.s32 $0xFB00;
	v6 =	vadd.s32 v2, v6  }
0x275: {  	[tilespmem:s12], [sflag:$0x2] =	stream.indirect_vreg.gather [hbm4b:s10+s4], $0x80, v7, vm0, $0xb8;
	[tilespmem:$0x1FC80] =	vst v63  }
0x276: {  	s13 =	simm.s32 $0x10300  }
0x277: {  	[tilespmem:s13], [sflag:$0x2] =	stream.indirect_vreg.gather [hbm4b:s11+s4], $0x80, v7, vm0, $0xb8;
	[tilespmem:$0x1FC80] =	vst v63  }
0x278: {  	s14 =	simm.s32 $0x10B00  }
0x279: {  	[tilespmem:s14], [sflag:$0x2] =	stream.indirect_vreg.gather [hbm4b:s0+s4], $0x80, v6, vm0, $0xb8;
	[tilespmem:$0x1FC80] =	vst v63  }
0x27a: {  	s15 =	simm.s32 $0x11300  }
0x27b: {  	[tilespmem:s15], [sflag:$0x2] =	stream.indirect_vreg.gather [hbm4b:s10+s4], $0x80, v6, vm0, $0xb8;
	[tilespmem:$0x1FC80] =	vst v63  }
0x27c: {  	s17 =	simm.s32 $0x11B00  }
0x27d: {  	[tilespmem:s17], [sflag:$0x2] =	stream.indirect_vreg.gather [hbm4b:s11+s4], $0x80, v6, vm0, $0xb8;
	[tilespmem:$0x1FC80] =	vst v63  }
0x27e: {  	v6 =	vld [tilespmem:$0x2A0];
	_ =	sdelay $0x4  }
0x27f: {  	v7 =	vshrl.u32 v6, $0x3  }
0x280: {  	v7 =	vmul.u32 $0x30, v7  }
0x281: {  	v6 =	vand.u32 $0x7, v6  }
0x282: {  	v6 =	vor.u32 v6, v7  }
0x283: {  	v7 =	vperm.xlane v6, v1;
	_ =	sdelay $0x1  }
0x284: {  	v7 =	vadd.s32 v2, v7;
	_ =	sdelay $0x3  }
0x285: {  	s12 =	simm.s32 $0x12300;
	v6 =	vperm.xlane v6, v3  }
0x286: {  	[tilespmem:s12], [sflag:$0x2] =	stream.indirect_vreg.gather [hbm4b:s0+s4], $0x80, v7, vm0, $0xb8;
	[tilespmem:$0x1FC80] =	vst v63  }
0x287: {  	s13 =	simm.s32 $0x12B00;
	v6 =	vadd.s32 v2, v6  }
0x288: {  	[tilespmem:s13], [sflag:$0x2] =	stream.indirect_vreg.gather [hbm4b:s10+s4], $0x80, v7, vm0, $0xb8;
	[tilespmem:$0x1FC80] =	vst v63  }
0x289: {  	s14 =	simm.s32 $0x13300  }
0x28a: {  	[tilespmem:s14], [sflag:$0x2] =	stream.indirect_vreg.gather [hbm4b:s11+s4], $0x80, v7, vm0, $0xb8;
	[tilespmem:$0x1FC80] =	vst v63  }
0x28b: {  	s15 =	simm.s32 $0x13B00  }
0x28c: {  	[tilespmem:s15], [sflag:$0x2] =	stream.indirect_vreg.gather [hbm4b:s0+s4], $0x80, v6, vm0, $0xb8;
	[tilespmem:$0x1FC80] =	vst v63  }
0x28d: {  	s17 =	simm.s32 $0x14300  }
0x28e: {  	[tilespmem:s17], [sflag:$0x2] =	stream.indirect_vreg.gather [hbm4b:s10+s4], $0x80, v6, vm0, $0xb8;
	[tilespmem:$0x1FC80] =	vst v63  }
0x28f: {  	_ = 	snop  }
0x290: {  	[tilespmem:s18], [sflag:$0x2] =	stream.indirect_vreg.gather [hbm4b:s11+s4], $0x80, v6, vm0, $0xb8;
	[tilespmem:$0x1FC80] =	vst v63  }
0x291: {  	v6 =	vld [tilespmem:$0x2B0];
	_ =	sdelay $0x4  }
0x292: {  	v7 =	vshrl.u32 v6, $0x3  }
0x293: {  	v7 =	vmul.u32 $0x30, v7  }
0x294: {  	v6 =	vand.u32 $0x7, v6  }
0x295: {  	v6 =	vor.u32 v6, v7  }
0x296: {  	v7 =	vperm.xlane v6, v1;
	_ =	sdelay $0x1  }
0x297: {  	v7 =	vadd.s32 v2, v7;
	_ =	sdelay $0x3  }
0x298: {  	v6 =	vperm.xlane v6, v3  }
0x299: {  	[tilespmem:s23], [sflag:$0x2] =	stream.indirect_vreg.gather [hbm4b:s0+s4], $0x80, v7, vm0, $0xb8;
	[tilespmem:$0x1FC80] =	vst v63  }
0x29a: {  	v6 =	vadd.s32 v2, v6  }
0x29b: {  	[tilespmem:s24], [sflag:$0x2] =	stream.indirect_vreg.gather [hbm4b:s10+s4], $0x80, v7, vm0, $0xb8;
	[tilespmem:$0x1FC80] =	vst v63  }
0x29c: {  	_ = 	snop  }
0x29d: {  	[tilespmem:s25], [sflag:$0x2] =	stream.indirect_vreg.gather [hbm4b:s11+s4], $0x80, v7, vm0, $0xb8;
	[tilespmem:$0x1FC80] =	vst v63  }
0x29e: {  	_ = 	snop  }
0x29f: {  	[tilespmem:s26], [sflag:$0x2] =	stream.indirect_vreg.gather [hbm4b:s0+s4], $0x80, v6, vm0, $0xb8;
	[tilespmem:$0x1FC80] =	vst v63  }
.Ltmp9:
0x2a0: {  	_ = 	snop;
	(pc) =	sbr.rel .LBB2_12-.Ltmp9, $4  }
0x2a1: {  	_ = 	snop  }
0x2a2: {  	[tilespmem:s28], [sflag:$0x2] =	stream.indirect_vreg.gather [hbm4b:s10+s4], $0x80, v6, vm0, $0xb8;
	[tilespmem:$0x1FC80] =	vst v63  }
0x2a3: {  	_ = 	snop  }
0x2a4: {  	[tilespmem:s29], [sflag:$0x2] =	stream.indirect_vreg.gather [hbm4b:s11+s4], $0x80, v6, vm0, $0xb8;
	[tilespmem:$0x1FC80] =	vst v63  }
.LBB2_14:
0x2a5: {  	_ =	sfence.sel $0x180000  }
0x2a6: {  	[bflag:$0x0] =	sbarrier.arrive $0xFFFF  }
0x2a7: {  	_ =	strace $0x90000047  }
0x2a8: {  	s0 =	stileid.u32;
	[bflag:$0x2] =	sbarrier.arrive $0xFFFF  }
0x2a9: {  	p0 =	sne.s32 s0, $0x0;
	s0 =	rddreg [dreg:$0x9]  }
0x2aa: {  	s0 =	sadd.s32 @!p0 $0x100000, s0  }
0x2ab: {  	[sflag:s0] =	ssyncadd.tile.s32 @!p0 $0x1;
	_ =	shalt  }
.Lfunc_end2:
_tile_overlayer_lowered:
.L_overlay_start_2:
0x2ac: {  	(tag) =	ssettag $0x2  }
0x2ad: {  	s0 =	rddreg [dreg:$0x0];
	s2 =	stileid.u32  }
0x2ae: {  	s1 =	rddreg [dreg:$0x1];
	p0 =	sne.s32 s2, $0x0  }
0x2af: {  	s3 =	rddreg [dreg:$0x2];
	[bflag:$0x3] =	sbarrier.arrive $0xFFFF;
	s2 =	simm.s32 @!p0 $0x1C06  }
0x2b0: {  	[timem:s3], [sflag:s2] =	dma.local @!p0 [hbm:s0], s1  }
0x2b1: {  	s0 =	simm.s32 @!p0 $0x6  }
0x2b2: {  	_ =	swait.ge @!p0 [sflag:s0], s1  }
0x2b3: {  	s1 =	ssub.s32 @!p0 $0x0, s1;
	[sflag:s0] =	ssyncset.done @!p0 $0x0  }
0x2b4: {  	[sflag:s0] =	ssyncadd.s32 @!p0 s1  }
0x2b5: {  	[bflag:$0x3] =	sbarrier.arrive $0xFFFF  }
0x2b6: {  	_ =	shalt  }

</sc_bundles>
